<compile_context>
chip_gen: v7x
topology: tpu7x:2x2x1
jax: 0.10.2.dev20260603
libtpu: 0.0.44.dev20260713+nightly
codegen_flags: <defaults>
</compile_context>

<pallas_src>
import jax
import jax.numpy as jnp
from jax import lax
from jax.experimental import pallas as pl
from jax.experimental.pallas import tpu as pltpu
from jax.experimental.pallas import tpu_sc as plsc

N = 16 * 512 * 512
NC, NS = 2, 16
NW = NC * NS
PER_TILE = N // NW
K = 65536
KS = K // NS

C1 = 16384
C2 = 8192
R2 = C2 // 128

_mesh = plsc.VectorSubcoreMesh(core_axis_name="c", subcore_axis_name="s")


def _minmax_body(pred_hbm, label_hbm, mm_hbm, pbuf, lbuf, obuf, sem_in):
    cid = lax.axis_index("c")
    sid = lax.axis_index("s")
    wid = cid * NS + sid
    base = wid * PER_TILE
    NCHUNK = PER_TILE // C1

    pltpu.async_copy(pred_hbm.at[pl.ds(base, C1)],
                     pbuf.at[pl.ds(0, C1)], sem_in)
    pltpu.async_copy(label_hbm.at[pl.ds(base, C1)],
                     lbuf.at[pl.ds(0, C1)], sem_in)

    def chunk_body(ci, carry):
        lo, hi = carry
        b = lax.rem(ci, 2)
        boff = b * C1
        pltpu.make_async_copy(pred_hbm.at[pl.ds(0, C1)],
                              pbuf.at[pl.ds(boff, C1)], sem_in).wait()
        pltpu.make_async_copy(pred_hbm.at[pl.ds(0, C1)],
                              lbuf.at[pl.ds(boff, C1)], sem_in).wait()

        @pl.when(ci < NCHUNK - 1)
        def _():
            b2 = lax.rem(ci + 1, 2)
            off2 = base + (ci + 1) * C1
            pltpu.async_copy(pred_hbm.at[pl.ds(off2, C1)],
                             pbuf.at[pl.ds(b2 * C1, C1)], sem_in)
            pltpu.async_copy(label_hbm.at[pl.ds(off2, C1)],
                             lbuf.at[pl.ds(b2 * C1, C1)], sem_in)

        def vec_body(i, c2):
            lo2, hi2 = c2
            for u in range(8):
                off = boff + i * 128 + u * 16
                p = pbuf[pl.ds(off, 16)]
                l = lbuf[pl.ds(off, 16)]
                e = 1.0 - p * (2.0 * l - 1.0)
                lo2 = jnp.minimum(lo2, e)
                hi2 = jnp.maximum(hi2, e)
            return lo2, hi2

        return lax.fori_loop(0, C1 // 128, vec_body, (lo, hi))

    big = jnp.full((16,), 3.0e38, jnp.float32)
    lo, hi = lax.fori_loop(0, NCHUNK, chunk_body, (big, -big))
    obuf[0, :] = lo
    obuf[1, :] = hi
    pltpu.sync_copy(obuf, mm_hbm.at[pl.ds(2 * wid, 2)])


_minmax_call = pl.kernel(
    _minmax_body,
    out_type=jax.ShapeDtypeStruct((2 * NW, 16), jnp.float32),
    mesh=_mesh,
    scratch_types=[
        pltpu.VMEM((2 * C1,), jnp.float32),
        pltpu.VMEM((2 * C1,), jnp.float32),
        pltpu.VMEM((2, 16), jnp.float32),
        pltpu.SemaphoreType.DMA,
    ],
)


def _hist_body(pred_hbm, label_hbm, mm_hbm, hist_hbm,
               pbuf, lbuf, zbuf, idxbuf, onesbuf, mmbuf, h2,
               sem_in, sem_sc):
    cid = lax.axis_index("c")
    sid = lax.axis_index("s")
    base = (cid * NS + sid) * PER_TILE

    pltpu.sync_copy(mm_hbm, mmbuf)
    lo = mmbuf[0, :]
    hi = mmbuf[1, :]
    for j in range(1, NW):
        lo = jnp.minimum(lo, mmbuf[2 * j, :])
        hi = jnp.maximum(hi, mmbuf[2 * j + 1, :])
    _dn = lax.GatherDimensionNumbers(
        offset_dims=(), collapsed_slice_dims=(0,), start_index_map=(0,))

    def _permute(x, perm):
        return lax.gather(x, perm[:, None], _dn, (1,),
                          mode=lax.GatherScatterMode.PROMISE_IN_BOUNDS)

    for mbit in (8, 4, 2, 1):
        perm = lax.iota(jnp.int32, 16) ^ mbit
        lo = jnp.minimum(lo, _permute(lo, perm))
        hi = jnp.maximum(hi, _permute(hi, perm))
    hi_v = hi
    iw_v = (K - 1.0) / jnp.maximum(hi - lo, 1e-30)

    zero16 = jnp.zeros((16,), jnp.float32)

    def z_body(i, _):
        zbuf[pl.ds(i * 16, 16)] = zero16
        return 0

    lax.fori_loop(0, (2 * KS) // 16, z_body, 0)
    pltpu.sync_copy(zbuf, h2.at[pl.ds(sid * 2 * KS, 2 * KS)])

    one16 = jnp.ones((16,), jnp.float32)
    for i in range(8):
        onesbuf[pl.ds(i * 16, 16)] = one16

    NCHUNK = PER_TILE // C2

    pltpu.async_copy(pred_hbm.at[pl.ds(base, C2)],
                     pbuf.at[pl.ds(0, C2)], sem_in)
    pltpu.async_copy(label_hbm.at[pl.ds(base, C2)],
                     lbuf.at[pl.ds(0, C2)], sem_in)

    plsc.subcore_barrier()

    def chunk(ci, _):
        b = lax.rem(ci, 3)
        boff = b * C2
        pltpu.make_async_copy(pred_hbm.at[pl.ds(0, C2)],
                              pbuf.at[pl.ds(boff, C2)], sem_in).wait()
        pltpu.make_async_copy(pred_hbm.at[pl.ds(0, C2)],
                              lbuf.at[pl.ds(boff, C2)], sem_in).wait()

        @pl.when(ci < NCHUNK - 1)
        def _():
            b2 = lax.rem(ci + 1, 3)
            off2 = base + (ci + 1) * C2
            pltpu.async_copy(pred_hbm.at[pl.ds(off2, C2)],
                             pbuf.at[pl.ds(b2 * C2, C2)], sem_in)
            pltpu.async_copy(label_hbm.at[pl.ds(off2, C2)],
                             lbuf.at[pl.ds(b2 * C2, C2)], sem_in)

        def vec_body(i, _2):
            for u in range(8):
                off = boff + i * 128 + u * 16
                p = pbuf[pl.ds(off, 16)]
                l = lbuf[pl.ds(off, 16)]
                e = 1.0 - p * (2.0 * l - 1.0)
                t = jnp.clip((hi_v - e) * iw_v, 0.0, K - 1.0)
                t = t + l * float(K)
                idxbuf[b * R2 + i, pl.ds(u * 16, 16)] = t.astype(jnp.int32)
            return 0

        lax.fori_loop(0, C2 // 128, vec_body, 0)

        @pl.when(ci > 0)
        def _():
            pltpu.make_async_copy(pred_hbm.at[pl.ds(0, C2)],
                                  zbuf, sem_sc).wait()

        def row_body(j, _2):
            irow = idxbuf.at[b * R2 + j]
            pltpu.async_copy(onesbuf, h2.at[irow], sem_sc, add=True)
            return 0

        lax.fori_loop(0, R2, row_body, 0)
        return 0

    lax.fori_loop(0, NCHUNK, chunk, 0)
    pltpu.make_async_copy(pred_hbm.at[pl.ds(0, C2)], zbuf, sem_sc).wait()
    plsc.subcore_barrier()

    pltpu.sync_copy(h2.at[pl.ds(sid * 2 * KS, 2 * KS)],
                    hist_hbm.at[pl.ds(cid * 2 * K + sid * 2 * KS, 2 * KS)])


_hist_call = pl.kernel(
    _hist_body,
    out_type=jax.ShapeDtypeStruct((NC * 2 * K,), jnp.float32),
    mesh=_mesh,
    scratch_types=[
        pltpu.VMEM((3 * C2,), jnp.float32),
        pltpu.VMEM((3 * C2,), jnp.float32),
        pltpu.VMEM((C2,), jnp.float32),
        pltpu.VMEM((3 * R2, 128), jnp.int32),
        pltpu.VMEM((128,), jnp.float32),
        pltpu.VMEM((2 * NW, 16), jnp.float32),
        pltpu.VMEM_SHARED((2 * K,), jnp.float32),
        pltpu.SemaphoreType.DMA,
        pltpu.SemaphoreType.DMA,
    ],
)


def _finish_body(mm_ref, h_ref, o_ref):
    m = h_ref[0, 0] + h_ref[1, 0]
    p = h_ref[0, 1] + h_ref[1, 1]
    lo = jnp.min(mm_ref[:, 0:16])
    hi = jnp.max(mm_ref[:, 16:32])
    rows = lax.broadcasted_iota(jnp.int32, (256, 256), 0)
    cols = lax.broadcasted_iota(jnp.int32, (256, 256), 1)
    ut = (rows <= cols).astype(jnp.float32)
    slt = (cols < rows).astype(jnp.float32)
    cp = jnp.dot(p, ut, preferred_element_type=jnp.float32,
                 precision=lax.Precision.HIGHEST)
    cn = jnp.dot(m, ut, preferred_element_type=jnp.float32,
                 precision=lax.Precision.HIGHEST)
    prow = jnp.sum(p, axis=1, keepdims=True)
    mrow = jnp.sum(m, axis=1, keepdims=True)
    cp = cp + jnp.dot(slt, prow, preferred_element_type=jnp.float32,
                      precision=lax.Precision.HIGHEST)
    cn = cn + jnp.dot(slt, mrow, preferred_element_type=jnp.float32,
                      precision=lax.Precision.HIGHEST)
    big_p = jnp.sum(p)
    cnt = cp + cn
    iou = jnp.where(cnt > 0.5,
                    1.0 - (big_p - cp) / jnp.maximum(big_p + cn, 1.0),
                    0.0)
    shift = (rows == cols - 1).astype(jnp.float32)
    prev_in_row = jnp.dot(iou, shift, preferred_element_type=jnp.float32,
                          precision=lax.Precision.HIGHEST)
    lastcol = iou[:, 255:256]
    shiftr = (cols == rows - 1).astype(jnp.float32)
    prev_row_last = jnp.dot(shiftr, lastcol, preferred_element_type=jnp.float32,
                            precision=lax.Precision.HIGHEST)
    col0 = (cols == 0).astype(jnp.float32)
    prev = prev_in_row + col0 * prev_row_last
    d = iou - prev
    w = jnp.maximum(hi - lo, 1e-30) / (K - 1.0)
    kk = (rows * 256 + cols).astype(jnp.float32)
    mid = jnp.maximum(hi - (kk + 0.5) * w, 0.0)
    loss = jnp.sum(mid * d)
    o_ref[...] = loss.reshape(1, 1)


_finish_call = pl.pallas_call(
    _finish_body,
    out_shape=jax.ShapeDtypeStruct((1, 1), jnp.float32),
    in_specs=[
        pl.BlockSpec((32, 32), lambda: (0, 0)),
        pl.BlockSpec((2, 2, 256, 256), lambda: (0, 0, 0, 0)),
    ],
    out_specs=pl.BlockSpec((1, 1), lambda: (0, 0)),
)


def kernel(prediction, label):
    pred = prediction.reshape(-1)
    lab = label.reshape(-1)
    mm = _minmax_call(pred, lab)
    hist = _hist_call(pred, lab, mm)
    out = _finish_call(mm.reshape(32, 32), hist.reshape(2, 2, 256, 256))
    return out.reshape(())

# --- scband reference (transcript-rebuilt; emitter-appended) ---
"""Pipeline reference for scband-lovasz-hinge-loss-1580547966930 (READ-ONLY COPY).

The authoritative reference and input builder live on the scoring server;
editing this copy changes nothing except your own understanding.
"""

import jax, jax.numpy as jnp
import numpy as np


def setup_inputs(seed: int = 0) -> dict:
    key = jax.random.key(seed)
    k1, k2 = jax.random.split(key)
    prediction = jax.random.normal(k1, (16, 512, 512), dtype=jnp.float32)
    label = jax.random.randint(k2, (16, 512, 512), 0, 2).astype(jnp.float32)
    return {"prediction": prediction, "label": label}


def reference(prediction, label):
    # flatten
    prediction = prediction.reshape(-1)
    label = label.reshape(-1)
    # hinge errors
    signs = 2.0 * label - 1.0
    error = 1.0 - prediction * signs
    # sort errors descending (torch.sort(..., descending=True))
    permutation = jnp.argsort(-error)
    errors_sorted = error[permutation]
    label_sorted = label[permutation]
    # lovasz gradient of sorted labels
    label_sum = label_sorted.sum()
    intersection = label_sum - jnp.cumsum(label_sorted, axis=0)
    union = label_sum + jnp.cumsum(1.0 - label_sorted, axis=0)
    iou = 1.0 - intersection / union
    iou = jnp.concatenate([iou[:1], iou[1:] - iou[:-1]], axis=0)
    loss = jnp.dot(jax.nn.relu(errors_sorted), iou)
    return loss

if __name__ == "__main__":
    import jax
    _d = setup_inputs()
    print(jax.jit(kernel)(*tuple(_d.values())))

</pallas_src>

<mosaic_0001>
#map = affine_map<(d0, d1) -> (0)>
#map1 = affine_map<(d0, d1) -> (0, 0)>
module attributes {stable_mosaic.version = 14 : i64} {
  func.func @_hist_body(%arg0: i32, %arg1: i32, %arg2: memref<4194304xf32, #tpu.memory_space<hbm>>, %arg3: memref<4194304xf32, #tpu.memory_space<hbm>>, %arg4: memref<64x16xf32, #tpu.memory_space<hbm>>, %arg5: memref<262144xf32, #tpu.memory_space<hbm>>, %arg6: memref<24576xf32, #tpu.memory_space<vmem>>, %arg7: memref<24576xf32, #tpu.memory_space<vmem>>, %arg8: memref<8192xf32, #tpu.memory_space<vmem>>, %arg9: memref<192x128xi32, #tpu.memory_space<vmem>>, %arg10: memref<128xf32, #tpu.memory_space<vmem>>, %arg11: memref<64x16xf32, #tpu.memory_space<vmem>>, %arg12: memref<131072xf32, #tpu.memory_space<vmem_shared>>, %arg13: memref<!tpu.dma_semaphore, #tpu.memory_space<semaphore_mem>>, %arg14: memref<!tpu.dma_semaphore, #tpu.memory_space<semaphore_mem>>) attributes {dimension_semantics = [#tpu.dimension_semantics<core_parallel>, #tpu.dimension_semantics<subcore_parallel>], iteration_bounds = array<i64: 2, 16>, scalar_prefetch = 0 : i64, scratch_operands = 9 : i64, tpu.core_type = #tpu.core_type<sc_vector_subcore>, window_params = [{transform_indices = #map}, {transform_indices = #map}, {transform_indices = #map1}, {transform_indices = #map}]} {
    %mul3A = arith.constant 16 : i32
    %mul3A_0 = arith.muli %arg0, %mul3A : i32
    %add3A = arith.addi %mul3A_0, %arg1 : i32
    %mul3A_1 = arith.constant 131072 : i32
    %mul3A_2 = arith.muli %add3A, %mul3A_1 : i32
    "tpu.region"() ({
      %run_scoped3A = tpu.sem_alloc : memref<!tpu.dma_semaphore, #tpu.memory_space<semaphore_mem>>
      tpu.enqueue_dma source(%arg4 : memref<64x16xf32, #tpu.memory_space<hbm>>) target(%arg11 : memref<64x16xf32, #tpu.memory_space<vmem>>) target_semaphore(%run_scoped3A : memref<!tpu.dma_semaphore, #tpu.memory_space<semaphore_mem>>)
      tpu.wait_dma2 semaphore(%run_scoped3A : memref<!tpu.dma_semaphore, #tpu.memory_space<semaphore_mem>>) src(%arg4 : memref<64x16xf32, #tpu.memory_space<hbm>>) dst(%arg11 : memref<64x16xf32, #tpu.memory_space<vmem>>)
      tpu.yield
    }) : () -> ()
    %get3A = arith.constant 0 : i32
    %get3A_3 = arith.index_cast %get3A : i32 to index
    %get3A_4 = arith.constant 0 : index
    %get3A_5 = tpu.vector_load %arg11[%get3A_3, %get3A_4] {strides = array<i32>} : memref<64x16xf32, #tpu.memory_space<vmem>>, vector<1x16xf32>,
    %get3A_6 = vector.shape_cast %get3A_5 : vector<1x16xf32> to vector<16xf32>
    %get3A_7 = arith.constant 1 : i32
    %get3A_8 = arith.index_cast %get3A_7 : i32 to index
    %get3A_9 = arith.constant 0 : index
    %get3A_10 = tpu.vector_load %arg11[%get3A_8, %get3A_9] {strides = array<i32>} : memref<64x16xf32, #tpu.memory_space<vmem>>, vector<1x16xf32>,
    %get3A_11 = vector.shape_cast %get3A_10 : vector<1x16xf32> to vector<16xf32>
    %get3A_12 = arith.constant 2 : i32
    %get3A_13 = arith.index_cast %get3A_12 : i32 to index
    %get3A_14 = arith.constant 0 : index
    %get3A_15 = tpu.vector_load %arg11[%get3A_13, %get3A_14] {strides = array<i32>} : memref<64x16xf32, #tpu.memory_space<vmem>>, vector<1x16xf32>,
    %get3A_16 = vector.shape_cast %get3A_15 : vector<1x16xf32> to vector<16xf32>
    %min3A = arith.minimumf %get3A_6, %get3A_16 : vector<16xf32>
    %get3A_17 = arith.constant 3 : i32
    %get3A_18 = arith.index_cast %get3A_17 : i32 to index
    %get3A_19 = arith.constant 0 : index
    %get3A_20 = tpu.vector_load %arg11[%get3A_18, %get3A_19] {strides = array<i32>} : memref<64x16xf32, #tpu.memory_space<vmem>>, vector<1x16xf32>,
    %get3A_21 = vector.shape_cast %get3A_20 : vector<1x16xf32> to vector<16xf32>
    %max3A = arith.maximumf %get3A_11, %get3A_21 : vector<16xf32>
    %get3A_22 = arith.constant 4 : i32
    %get3A_23 = arith.index_cast %get3A_22 : i32 to index
    %get3A_24 = arith.constant 0 : index
    %get3A_25 = tpu.vector_load %arg11[%get3A_23, %get3A_24] {strides = array<i32>} : memref<64x16xf32, #tpu.memory_space<vmem>>, vector<1x16xf32>,
    %get3A_26 = vector.shape_cast %get3A_25 : vector<1x16xf32> to vector<16xf32>
    %min3A_27 = arith.minimumf %min3A, %get3A_26 : vector<16xf32>
    %get3A_28 = arith.constant 5 : i32
    %get3A_29 = arith.index_cast %get3A_28 : i32 to index
    %get3A_30 = arith.constant 0 : index
    %get3A_31 = tpu.vector_load %arg11[%get3A_29, %get3A_30] {strides = array<i32>} : memref<64x16xf32, #tpu.memory_space<vmem>>, vector<1x16xf32>,
    %get3A_32 = vector.shape_cast %get3A_31 : vector<1x16xf32> to vector<16xf32>
    %max3A_33 = arith.maximumf %max3A, %get3A_32 : vector<16xf32>
    %get3A_34 = arith.constant 6 : i32
    %get3A_35 = arith.index_cast %get3A_34 : i32 to index
    %get3A_36 = arith.constant 0 : index
    %get3A_37 = tpu.vector_load %arg11[%get3A_35, %get3A_36] {strides = array<i32>} : memref<64x16xf32, #tpu.memory_space<vmem>>, vector<1x16xf32>,
    %get3A_38 = vector.shape_cast %get3A_37 : vector<1x16xf32> to vector<16xf32>
    %min3A_39 = arith.minimumf %min3A_27, %get3A_38 : vector<16xf32>
    %get3A_40 = arith.constant 7 : i32
    %get3A_41 = arith.index_cast %get3A_40 : i32 to index
    %get3A_42 = arith.constant 0 : index
    %get3A_43 = tpu.vector_load %arg11[%get3A_41, %get3A_42] {strides = array<i32>} : memref<64x16xf32, #tpu.memory_space<vmem>>, vector<1x16xf32>,
    %get3A_44 = vector.shape_cast %get3A_43 : vector<1x16xf32> to vector<16xf32>
    %max3A_45 = arith.maximumf %max3A_33, %get3A_44 : vector<16xf32>
    %get3A_46 = arith.constant 8 : i32
    %get3A_47 = arith.index_cast %get3A_46 : i32 to index
    %get3A_48 = arith.constant 0 : index
    %get3A_49 = tpu.vector_load %arg11[%get3A_47, %get3A_48] {strides = array<i32>} : memref<64x16xf32, #tpu.memory_space<vmem>>, vector<1x16xf32>,
    %get3A_50 = vector.shape_cast %get3A_49 : vector<1x16xf32> to vector<16xf32>
    %min3A_51 = arith.minimumf %min3A_39, %get3A_50 : vector<16xf32>
    %get3A_52 = arith.constant 9 : i32
    %get3A_53 = arith.index_cast %get3A_52 : i32 to index
    %get3A_54 = arith.constant 0 : index
    %get3A_55 = tpu.vector_load %arg11[%get3A_53, %get3A_54] {strides = array<i32>} : memref<64x16xf32, #tpu.memory_space<vmem>>, vector<1x16xf32>,
    %get3A_56 = vector.shape_cast %get3A_55 : vector<1x16xf32> to vector<16xf32>
    %max3A_57 = arith.maximumf %max3A_45, %get3A_56 : vector<16xf32>
    %get3A_58 = arith.constant 10 : i32
    %get3A_59 = arith.index_cast %get3A_58 : i32 to index
    %get3A_60 = arith.constant 0 : index
    %get3A_61 = tpu.vector_load %arg11[%get3A_59, %get3A_60] {strides = array<i32>} : memref<64x16xf32, #tpu.memory_space<vmem>>, vector<1x16xf32>,
    %get3A_62 = vector.shape_cast %get3A_61 : vector<1x16xf32> to vector<16xf32>
    %min3A_63 = arith.minimumf %min3A_51, %get3A_62 : vector<16xf32>
    %get3A_64 = arith.constant 11 : i32
    %get3A_65 = arith.index_cast %get3A_64 : i32 to index
    %get3A_66 = arith.constant 0 : index
    %get3A_67 = tpu.vector_load %arg11[%get3A_65, %get3A_66] {strides = array<i32>} : memref<64x16xf32, #tpu.memory_space<vmem>>, vector<1x16xf32>,
    %get3A_68 = vector.shape_cast %get3A_67 : vector<1x16xf32> to vector<16xf32>
    %max3A_69 = arith.maximumf %max3A_57, %get3A_68 : vector<16xf32>
    %get3A_70 = arith.constant 12 : i32
    %get3A_71 = arith.index_cast %get3A_70 : i32 to index
    %get3A_72 = arith.constant 0 : index
    %get3A_73 = tpu.vector_load %arg11[%get3A_71, %get3A_72] {strides = array<i32>} : memref<64x16xf32, #tpu.memory_space<vmem>>, vector<1x16xf32>,
    %get3A_74 = vector.shape_cast %get3A_73 : vector<1x16xf32> to vector<16xf32>
    %min3A_75 = arith.minimumf %min3A_63, %get3A_74 : vector<16xf32>
    %get3A_76 = arith.constant 13 : i32
    %get3A_77 = arith.index_cast %get3A_76 : i32 to index
    %get3A_78 = arith.constant 0 : index
    %get3A_79 = tpu.vector_load %arg11[%get3A_77, %get3A_78] {strides = array<i32>} : memref<64x16xf32, #tpu.memory_space<vmem>>, vector<1x16xf32>,
    %get3A_80 = vector.shape_cast %get3A_79 : vector<1x16xf32> to vector<16xf32>
    %max3A_81 = arith.maximumf %max3A_69, %get3A_80 : vector<16xf32>
    %get3A_82 = arith.constant 14 : i32
    %get3A_83 = arith.index_cast %get3A_82 : i32 to index
    %get3A_84 = arith.constant 0 : index
    %get3A_85 = tpu.vector_load %arg11[%get3A_83, %get3A_84] {strides = array<i32>} : memref<64x16xf32, #tpu.memory_space<vmem>>, vector<1x16xf32>,
    %get3A_86 = vector.shape_cast %get3A_85 : vector<1x16xf32> to vector<16xf32>
    %min3A_87 = arith.minimumf %min3A_75, %get3A_86 : vector<16xf32>
    %get3A_88 = arith.constant 15 : i32
    %get3A_89 = arith.index_cast %get3A_88 : i32 to index
    %get3A_90 = arith.constant 0 : index
    %get3A_91 = tpu.vector_load %arg11[%get3A_89, %get3A_90] {strides = array<i32>} : memref<64x16xf32, #tpu.memory_space<vmem>>, vector<1x16xf32>,
    %get3A_92 = vector.shape_cast %get3A_91 : vector<1x16xf32> to vector<16xf32>
    %max3A_93 = arith.maximumf %max3A_81, %get3A_92 : vector<16xf32>
    %get3A_94 = arith.constant 16 : i32
    %get3A_95 = arith.index_cast %get3A_94 : i32 to index
    %get3A_96 = arith.constant 0 : index
    %get3A_97 = tpu.vector_load %arg11[%get3A_95, %get3A_96] {strides = array<i32>} : memref<64x16xf32, #tpu.memory_space<vmem>>, vector<1x16xf32>,
    %get3A_98 = vector.shape_cast %get3A_97 : vector<1x16xf32> to vector<16xf32>
    %min3A_99 = arith.minimumf %min3A_87, %get3A_98 : vector<16xf32>
    %get3A_100 = arith.constant 17 : i32
    %get3A_101 = arith.index_cast %get3A_100 : i32 to index
    %get3A_102 = arith.constant 0 : index
    %get3A_103 = tpu.vector_load %arg11[%get3A_101, %get3A_102] {strides = array<i32>} : memref<64x16xf32, #tpu.memory_space<vmem>>, vector<1x16xf32>,
    %get3A_104 = vector.shape_cast %get3A_103 : vector<1x16xf32> to vector<16xf32>
    %max3A_105 = arith.maximumf %max3A_93, %get3A_104 : vector<16xf32>
    %get3A_106 = arith.constant 18 : i32
    %get3A_107 = arith.index_cast %get3A_106 : i32 to index
    %get3A_108 = arith.constant 0 : index
    %get3A_109 = tpu.vector_load %arg11[%get3A_107, %get3A_108] {strides = array<i32>} : memref<64x16xf32, #tpu.memory_space<vmem>>, vector<1x16xf32>,
    %get3A_110 = vector.shape_cast %get3A_109 : vector<1x16xf32> to vector<16xf32>
    %min3A_111 = arith.minimumf %min3A_99, %get3A_110 : vector<16xf32>
    %get3A_112 = arith.constant 19 : i32
    %get3A_113 = arith.index_cast %get3A_112 : i32 to index
    %get3A_114 = arith.constant 0 : index
    %get3A_115 = tpu.vector_load %arg11[%get3A_113, %get3A_114] {strides = array<i32>} : memref<64x16xf32, #tpu.memory_space<vmem>>, vector<1x16xf32>,
    %get3A_116 = vector.shape_cast %get3A_115 : vector<1x16xf32> to vector<16xf32>
    %max3A_117 = arith.maximumf %max3A_105, %get3A_116 : vector<16xf32>
    %get3A_118 = arith.constant 20 : i32
    %get3A_119 = arith.index_cast %get3A_118 : i32 to index
    %get3A_120 = arith.constant 0 : index
    %get3A_121 = tpu.vector_load %arg11[%get3A_119, %get3A_120] {strides = array<i32>} : memref<64x16xf32, #tpu.memory_space<vmem>>, vector<1x16xf32>,
    %get3A_122 = vector.shape_cast %get3A_121 : vector<1x16xf32> to vector<16xf32>
    %min3A_123 = arith.minimumf %min3A_111, %get3A_122 : vector<16xf32>
    %get3A_124 = arith.constant 21 : i32
    %get3A_125 = arith.index_cast %get3A_124 : i32 to index
    %get3A_126 = arith.constant 0 : index
    %get3A_127 = tpu.vector_load %arg11[%get3A_125, %get3A_126] {strides = array<i32>} : memref<64x16xf32, #tpu.memory_space<vmem>>, vector<1x16xf32>,
    %get3A_128 = vector.shape_cast %get3A_127 : vector<1x16xf32> to vector<16xf32>
    %max3A_129 = arith.maximumf %max3A_117, %get3A_128 : vector<16xf32>
    %get3A_130 = arith.constant 22 : i32
    %get3A_131 = arith.index_cast %get3A_130 : i32 to index
    %get3A_132 = arith.constant 0 : index
    %get3A_133 = tpu.vector_load %arg11[%get3A_131, %get3A_132] {strides = array<i32>} : memref<64x16xf32, #tpu.memory_space<vmem>>, vector<1x16xf32>,
    %get3A_134 = vector.shape_cast %get3A_133 : vector<1x16xf32> to vector<16xf32>
    %min3A_135 = arith.minimumf %min3A_123, %get3A_134 : vector<16xf32>
    %get3A_136 = arith.constant 23 : i32
    %get3A_137 = arith.index_cast %get3A_136 : i32 to index
    %get3A_138 = arith.constant 0 : index
    %get3A_139 = tpu.vector_load %arg11[%get3A_137, %get3A_138] {strides = array<i32>} : memref<64x16xf32, #tpu.memory_space<vmem>>, vector<1x16xf32>,
    %get3A_140 = vector.shape_cast %get3A_139 : vector<1x16xf32> to vector<16xf32>
    %max3A_141 = arith.maximumf %max3A_129, %get3A_140 : vector<16xf32>
    %get3A_142 = arith.constant 24 : i32
    %get3A_143 = arith.index_cast %get3A_142 : i32 to index
    %get3A_144 = arith.constant 0 : index
    %get3A_145 = tpu.vector_load %arg11[%get3A_143, %get3A_144] {strides = array<i32>} : memref<64x16xf32, #tpu.memory_space<vmem>>, vector<1x16xf32>,
    %get3A_146 = vector.shape_cast %get3A_145 : vector<1x16xf32> to vector<16xf32>
    %min3A_147 = arith.minimumf %min3A_135, %get3A_146 : vector<16xf32>
    %get3A_148 = arith.constant 25 : i32
    %get3A_149 = arith.index_cast %get3A_148 : i32 to index
    %get3A_150 = arith.constant 0 : index
    %get3A_151 = tpu.vector_load %arg11[%get3A_149, %get3A_150] {strides = array<i32>} : memref<64x16xf32, #tpu.memory_space<vmem>>, vector<1x16xf32>,
    %get3A_152 = vector.shape_cast %get3A_151 : vector<1x16xf32> to vector<16xf32>
    %max3A_153 = arith.maximumf %max3A_141, %get3A_152 : vector<16xf32>
    %get3A_154 = arith.constant 26 : i32
    %get3A_155 = arith.index_cast %get3A_154 : i32 to index
    %get3A_156 = arith.constant 0 : index
    %get3A_157 = tpu.vector_load %arg11[%get3A_155, %get3A_156] {strides = array<i32>} : memref<64x16xf32, #tpu.memory_space<vmem>>, vector<1x16xf32>,
    %get3A_158 = vector.shape_cast %get3A_157 : vector<1x16xf32> to vector<16xf32>
    %min3A_159 = arith.minimumf %min3A_147, %get3A_158 : vector<16xf32>
    %get3A_160 = arith.constant 27 : i32
    %get3A_161 = arith.index_cast %get3A_160 : i32 to index
    %get3A_162 = arith.constant 0 : index
    %get3A_163 = tpu.vector_load %arg11[%get3A_161, %get3A_162] {strides = array<i32>} : memref<64x16xf32, #tpu.memory_space<vmem>>, vector<1x16xf32>,
    %get3A_164 = vector.shape_cast %get3A_163 : vector<1x16xf32> to vector<16xf32>
    %max3A_165 = arith.maximumf %max3A_153, %get3A_164 : vector<16xf32>
    %get3A_166 = arith.constant 28 : i32
    %get3A_167 = arith.index_cast %get3A_166 : i32 to index
    %get3A_168 = arith.constant 0 : index
    %get3A_169 = tpu.vector_load %arg11[%get3A_167, %get3A_168] {strides = array<i32>} : memref<64x16xf32, #tpu.memory_space<vmem>>, vector<1x16xf32>,
    %get3A_170 = vector.shape_cast %get3A_169 : vector<1x16xf32> to vector<16xf32>
    %min3A_171 = arith.minimumf %min3A_159, %get3A_170 : vector<16xf32>
    %get3A_172 = arith.constant 29 : i32
    %get3A_173 = arith.index_cast %get3A_172 : i32 to index
    %get3A_174 = arith.constant 0 : index
    %get3A_175 = tpu.vector_load %arg11[%get3A_173, %get3A_174] {strides = array<i32>} : memref<64x16xf32, #tpu.memory_space<vmem>>, vector<1x16xf32>,
    %get3A_176 = vector.shape_cast %get3A_175 : vector<1x16xf32> to vector<16xf32>
    %max3A_177 = arith.maximumf %max3A_165, %get3A_176 : vector<16xf32>
    %get3A_178 = arith.constant 30 : i32
    %get3A_179 = arith.index_cast %get3A_178 : i32 to index
    %get3A_180 = arith.constant 0 : index
    %get3A_181 = tpu.vector_load %arg11[%get3A_179, %get3A_180] {strides = array<i32>} : memref<64x16xf32, #tpu.memory_space<vmem>>, vector<1x16xf32>,
    %get3A_182 = vector.shape_cast %get3A_181 : vector<1x16xf32> to vector<16xf32>
    %min3A_183 = arith.minimumf %min3A_171, %get3A_182 : vector<16xf32>
    %get3A_184 = arith.constant 31 : i32
    %get3A_185 = arith.index_cast %get3A_184 : i32 to index
    %get3A_186 = arith.constant 0 : index
    %get3A_187 = tpu.vector_load %arg11[%get3A_185, %get3A_186] {strides = array<i32>} : memref<64x16xf32, #tpu.memory_space<vmem>>, vector<1x16xf32>,
    %get3A_188 = vector.shape_cast %get3A_187 : vector<1x16xf32> to vector<16xf32>
    %max3A_189 = arith.maximumf %max3A_177, %get3A_188 : vector<16xf32>
    %get3A_190 = arith.constant 32 : i32
    %get3A_191 = arith.index_cast %get3A_190 : i32 to index
    %get3A_192 = arith.constant 0 : index
    %get3A_193 = tpu.vector_load %arg11[%get3A_191, %get3A_192] {strides = array<i32>} : memref<64x16xf32, #tpu.memory_space<vmem>>, vector<1x16xf32>,
    %get3A_194 = vector.shape_cast %get3A_193 : vector<1x16xf32> to vector<16xf32>
    %min3A_195 = arith.minimumf %min3A_183, %get3A_194 : vector<16xf32>
    %get3A_196 = arith.constant 33 : i32
    %get3A_197 = arith.index_cast %get3A_196 : i32 to index
    %get3A_198 = arith.constant 0 : index
    %get3A_199 = tpu.vector_load %arg11[%get3A_197, %get3A_198] {strides = array<i32>} : memref<64x16xf32, #tpu.memory_space<vmem>>, vector<1x16xf32>,
    %get3A_200 = vector.shape_cast %get3A_199 : vector<1x16xf32> to vector<16xf32>
    %max3A_201 = arith.maximumf %max3A_189, %get3A_200 : vector<16xf32>
    %get3A_202 = arith.constant 34 : i32
    %get3A_203 = arith.index_cast %get3A_202 : i32 to index
    %get3A_204 = arith.constant 0 : index
    %get3A_205 = tpu.vector_load %arg11[%get3A_203, %get3A_204] {strides = array<i32>} : memref<64x16xf32, #tpu.memory_space<vmem>>, vector<1x16xf32>,
    %get3A_206 = vector.shape_cast %get3A_205 : vector<1x16xf32> to vector<16xf32>
    %min3A_207 = arith.minimumf %min3A_195, %get3A_206 : vector<16xf32>
    %get3A_208 = arith.constant 35 : i32
    %get3A_209 = arith.index_cast %get3A_208 : i32 to index
    %get3A_210 = arith.constant 0 : index
    %get3A_211 = tpu.vector_load %arg11[%get3A_209, %get3A_210] {strides = array<i32>} : memref<64x16xf32, #tpu.memory_space<vmem>>, vector<1x16xf32>,
    %get3A_212 = vector.shape_cast %get3A_211 : vector<1x16xf32> to vector<16xf32>
    %max3A_213 = arith.maximumf %max3A_201, %get3A_212 : vector<16xf32>
    %get3A_214 = arith.constant 36 : i32
    %get3A_215 = arith.index_cast %get3A_214 : i32 to index
    %get3A_216 = arith.constant 0 : index
    %get3A_217 = tpu.vector_load %arg11[%get3A_215, %get3A_216] {strides = array<i32>} : memref<64x16xf32, #tpu.memory_space<vmem>>, vector<1x16xf32>,
    %get3A_218 = vector.shape_cast %get3A_217 : vector<1x16xf32> to vector<16xf32>
    %min3A_219 = arith.minimumf %min3A_207, %get3A_218 : vector<16xf32>
    %get3A_220 = arith.constant 37 : i32
    %get3A_221 = arith.index_cast %get3A_220 : i32 to index
    %get3A_222 = arith.constant 0 : index
    %get3A_223 = tpu.vector_load %arg11[%get3A_221, %get3A_222] {strides = array<i32>} : memref<64x16xf32, #tpu.memory_space<vmem>>, vector<1x16xf32>,
    %get3A_224 = vector.shape_cast %get3A_223 : vector<1x16xf32> to vector<16xf32>
    %max3A_225 = arith.maximumf %max3A_213, %get3A_224 : vector<16xf32>
    %get3A_226 = arith.constant 38 : i32
    %get3A_227 = arith.index_cast %get3A_226 : i32 to index
    %get3A_228 = arith.constant 0 : index
    %get3A_229 = tpu.vector_load %arg11[%get3A_227, %get3A_228] {strides = array<i32>} : memref<64x16xf32, #tpu.memory_space<vmem>>, vector<1x16xf32>,
    %get3A_230 = vector.shape_cast %get3A_229 : vector<1x16xf32> to vector<16xf32>
    %min3A_231 = arith.minimumf %min3A_219, %get3A_230 : vector<16xf32>
    %get3A_232 = arith.constant 39 : i32
    %get3A_233 = arith.index_cast %get3A_232 : i32 to index
    %get3A_234 = arith.constant 0 : index
    %get3A_235 = tpu.vector_load %arg11[%get3A_233, %get3A_234] {strides = array<i32>} : memref<64x16xf32, #tpu.memory_space<vmem>>, vector<1x16xf32>,
    %get3A_236 = vector.shape_cast %get3A_235 : vector<1x16xf32> to vector<16xf32>
    %max3A_237 = arith.maximumf %max3A_225, %get3A_236 : vector<16xf32>
    %get3A_238 = arith.constant 40 : i32
    %get3A_239 = arith.index_cast %get3A_238 : i32 to index
    %get3A_240 = arith.constant 0 : index
    %get3A_241 = tpu.vector_load %arg11[%get3A_239, %get3A_240] {strides = array<i32>} : memref<64x16xf32, #tpu.memory_space<vmem>>, vector<1x16xf32>,
    %get3A_242 = vector.shape_cast %get3A_241 : vector<1x16xf32> to vector<16xf32>
    %min3A_243 = arith.minimumf %min3A_231, %get3A_242 : vector<16xf32>
    %get3A_244 = arith.constant 41 : i32
    %get3A_245 = arith.index_cast %get3A_244 : i32 to index
    %get3A_246 = arith.constant 0 : index
    %get3A_247 = tpu.vector_load %arg11[%get3A_245, %get3A_246] {strides = array<i32>} : memref<64x16xf32, #tpu.memory_space<vmem>>, vector<1x16xf32>,
    %get3A_248 = vector.shape_cast %get3A_247 : vector<1x16xf32> to vector<16xf32>
    %max3A_249 = arith.maximumf %max3A_237, %get3A_248 : vector<16xf32>
    %get3A_250 = arith.constant 42 : i32
    %get3A_251 = arith.index_cast %get3A_250 : i32 to index
    %get3A_252 = arith.constant 0 : index
    %get3A_253 = tpu.vector_load %arg11[%get3A_251, %get3A_252] {strides = array<i32>} : memref<64x16xf32, #tpu.memory_space<vmem>>, vector<1x16xf32>,
    %get3A_254 = vector.shape_cast %get3A_253 : vector<1x16xf32> to vector<16xf32>
    %min3A_255 = arith.minimumf %min3A_243, %get3A_254 : vector<16xf32>
    %get3A_256 = arith.constant 43 : i32
    %get3A_257 = arith.index_cast %get3A_256 : i32 to index
    %get3A_258 = arith.constant 0 : index
    %get3A_259 = tpu.vector_load %arg11[%get3A_257, %get3A_258] {strides = array<i32>} : memref<64x16xf32, #tpu.memory_space<vmem>>, vector<1x16xf32>,
    %get3A_260 = vector.shape_cast %get3A_259 : vector<1x16xf32> to vector<16xf32>
    %max3A_261 = arith.maximumf %max3A_249, %get3A_260 : vector<16xf32>
    %get3A_262 = arith.constant 44 : i32
    %get3A_263 = arith.index_cast %get3A_262 : i32 to index
    %get3A_264 = arith.constant 0 : index
    %get3A_265 = tpu.vector_load %arg11[%get3A_263, %get3A_264] {strides = array<i32>} : memref<64x16xf32, #tpu.memory_space<vmem>>, vector<1x16xf32>,
    %get3A_266 = vector.shape_cast %get3A_265 : vector<1x16xf32> to vector<16xf32>
    %min3A_267 = arith.minimumf %min3A_255, %get3A_266 : vector<16xf32>
    %get3A_268 = arith.constant 45 : i32
    %get3A_269 = arith.index_cast %get3A_268 : i32 to index
    %get3A_270 = arith.constant 0 : index
    %get3A_271 = tpu.vector_load %arg11[%get3A_269, %get3A_270] {strides = array<i32>} : memref<64x16xf32, #tpu.memory_space<vmem>>, vector<1x16xf32>,
    %get3A_272 = vector.shape_cast %get3A_271 : vector<1x16xf32> to vector<16xf32>
    %max3A_273 = arith.maximumf %max3A_261, %get3A_272 : vector<16xf32>
    %get3A_274 = arith.constant 46 : i32
    %get3A_275 = arith.index_cast %get3A_274 : i32 to index
    %get3A_276 = arith.constant 0 : index
    %get3A_277 = tpu.vector_load %arg11[%get3A_275, %get3A_276] {strides = array<i32>} : memref<64x16xf32, #tpu.memory_space<vmem>>, vector<1x16xf32>,
    %get3A_278 = vector.shape_cast %get3A_277 : vector<1x16xf32> to vector<16xf32>
    %min3A_279 = arith.minimumf %min3A_267, %get3A_278 : vector<16xf32>
    %get3A_280 = arith.constant 47 : i32
    %get3A_281 = arith.index_cast %get3A_280 : i32 to index
    %get3A_282 = arith.constant 0 : index
    %get3A_283 = tpu.vector_load %arg11[%get3A_281, %get3A_282] {strides = array<i32>} : memref<64x16xf32, #tpu.memory_space<vmem>>, vector<1x16xf32>,
    %get3A_284 = vector.shape_cast %get3A_283 : vector<1x16xf32> to vector<16xf32>
    %max3A_285 = arith.maximumf %max3A_273, %get3A_284 : vector<16xf32>
    %get3A_286 = arith.constant 48 : i32
    %get3A_287 = arith.index_cast %get3A_286 : i32 to index
    %get3A_288 = arith.constant 0 : index
    %get3A_289 = tpu.vector_load %arg11[%get3A_287, %get3A_288] {strides = array<i32>} : memref<64x16xf32, #tpu.memory_space<vmem>>, vector<1x16xf32>,
    %get3A_290 = vector.shape_cast %get3A_289 : vector<1x16xf32> to vector<16xf32>
    %min3A_291 = arith.minimumf %min3A_279, %get3A_290 : vector<16xf32>
    %get3A_292 = arith.constant 49 : i32
    %get3A_293 = arith.index_cast %get3A_292 : i32 to index
    %get3A_294 = arith.constant 0 : index
    %get3A_295 = tpu.vector_load %arg11[%get3A_293, %get3A_294] {strides = array<i32>} : memref<64x16xf32, #tpu.memory_space<vmem>>, vector<1x16xf32>,
    %get3A_296 = vector.shape_cast %get3A_295 : vector<1x16xf32> to vector<16xf32>
    %max3A_297 = arith.maximumf %max3A_285, %get3A_296 : vector<16xf32>
    %get3A_298 = arith.constant 50 : i32
    %get3A_299 = arith.index_cast %get3A_298 : i32 to index
    %get3A_300 = arith.constant 0 : index
    %get3A_301 = tpu.vector_load %arg11[%get3A_299, %get3A_300] {strides = array<i32>} : memref<64x16xf32, #tpu.memory_space<vmem>>, vector<1x16xf32>,
    %get3A_302 = vector.shape_cast %get3A_301 : vector<1x16xf32> to vector<16xf32>
    %min3A_303 = arith.minimumf %min3A_291, %get3A_302 : vector<16xf32>
    %get3A_304 = arith.constant 51 : i32
    %get3A_305 = arith.index_cast %get3A_304 : i32 to index
    %get3A_306 = arith.constant 0 : index
    %get3A_307 = tpu.vector_load %arg11[%get3A_305, %get3A_306] {strides = array<i32>} : memref<64x16xf32, #tpu.memory_space<vmem>>, vector<1x16xf32>,
    %get3A_308 = vector.shape_cast %get3A_307 : vector<1x16xf32> to vector<16xf32>
    %max3A_309 = arith.maximumf %max3A_297, %get3A_308 : vector<16xf32>
    %get3A_310 = arith.constant 52 : i32
    %get3A_311 = arith.index_cast %get3A_310 : i32 to index
    %get3A_312 = arith.constant 0 : index
    %get3A_313 = tpu.vector_load %arg11[%get3A_311, %get3A_312] {strides = array<i32>} : memref<64x16xf32, #tpu.memory_space<vmem>>, vector<1x16xf32>,
    %get3A_314 = vector.shape_cast %get3A_313 : vector<1x16xf32> to vector<16xf32>
    %min3A_315 = arith.minimumf %min3A_303, %get3A_314 : vector<16xf32>
    %get3A_316 = arith.constant 53 : i32
    %get3A_317 = arith.index_cast %get3A_316 : i32 to index
    %get3A_318 = arith.constant 0 : index
    %get3A_319 = tpu.vector_load %arg11[%get3A_317, %get3A_318] {strides = array<i32>} : memref<64x16xf32, #tpu.memory_space<vmem>>, vector<1x16xf32>,
    %get3A_320 = vector.shape_cast %get3A_319 : vector<1x16xf32> to vector<16xf32>
    %max3A_321 = arith.maximumf %max3A_309, %get3A_320 : vector<16xf32>
    %get3A_322 = arith.constant 54 : i32
    %get3A_323 = arith.index_cast %get3A_322 : i32 to index
    %get3A_324 = arith.constant 0 : index
    %get3A_325 = tpu.vector_load %arg11[%get3A_323, %get3A_324] {strides = array<i32>} : memref<64x16xf32, #tpu.memory_space<vmem>>, vector<1x16xf32>,
    %get3A_326 = vector.shape_cast %get3A_325 : vector<1x16xf32> to vector<16xf32>
    %min3A_327 = arith.minimumf %min3A_315, %get3A_326 : vector<16xf32>
    %get3A_328 = arith.constant 55 : i32
    %get3A_329 = arith.index_cast %get3A_328 : i32 to index
    %get3A_330 = arith.constant 0 : index
    %get3A_331 = tpu.vector_load %arg11[%get3A_329, %get3A_330] {strides = array<i32>} : memref<64x16xf32, #tpu.memory_space<vmem>>, vector<1x16xf32>,
    %get3A_332 = vector.shape_cast %get3A_331 : vector<1x16xf32> to vector<16xf32>
    %max3A_333 = arith.maximumf %max3A_321, %get3A_332 : vector<16xf32>
    %get3A_334 = arith.constant 56 : i32
    %get3A_335 = arith.index_cast %get3A_334 : i32 to index
    %get3A_336 = arith.constant 0 : index
    %get3A_337 = tpu.vector_load %arg11[%get3A_335, %get3A_336] {strides = array<i32>} : memref<64x16xf32, #tpu.memory_space<vmem>>, vector<1x16xf32>,
    %get3A_338 = vector.shape_cast %get3A_337 : vector<1x16xf32> to vector<16xf32>
    %min3A_339 = arith.minimumf %min3A_327, %get3A_338 : vector<16xf32>
    %get3A_340 = arith.constant 57 : i32
    %get3A_341 = arith.index_cast %get3A_340 : i32 to index
    %get3A_342 = arith.constant 0 : index
    %get3A_343 = tpu.vector_load %arg11[%get3A_341, %get3A_342] {strides = array<i32>} : memref<64x16xf32, #tpu.memory_space<vmem>>, vector<1x16xf32>,
    %get3A_344 = vector.shape_cast %get3A_343 : vector<1x16xf32> to vector<16xf32>
    %max3A_345 = arith.maximumf %max3A_333, %get3A_344 : vector<16xf32>
    %get3A_346 = arith.constant 58 : i32
    %get3A_347 = arith.index_cast %get3A_346 : i32 to index
    %get3A_348 = arith.constant 0 : index
    %get3A_349 = tpu.vector_load %arg11[%get3A_347, %get3A_348] {strides = array<i32>} : memref<64x16xf32, #tpu.memory_space<vmem>>, vector<1x16xf32>,
    %get3A_350 = vector.shape_cast %get3A_349 : vector<1x16xf32> to vector<16xf32>
    %min3A_351 = arith.minimumf %min3A_339, %get3A_350 : vector<16xf32>
    %get3A_352 = arith.constant 59 : i32
    %get3A_353 = arith.index_cast %get3A_352 : i32 to index
    %get3A_354 = arith.constant 0 : index
    %get3A_355 = tpu.vector_load %arg11[%get3A_353, %get3A_354] {strides = array<i32>} : memref<64x16xf32, #tpu.memory_space<vmem>>, vector<1x16xf32>,
    %get3A_356 = vector.shape_cast %get3A_355 : vector<1x16xf32> to vector<16xf32>
    %max3A_357 = arith.maximumf %max3A_345, %get3A_356 : vector<16xf32>
    %get3A_358 = arith.constant 60 : i32
    %get3A_359 = arith.index_cast %get3A_358 : i32 to index
    %get3A_360 = arith.constant 0 : index
    %get3A_361 = tpu.vector_load %arg11[%get3A_359, %get3A_360] {strides = array<i32>} : memref<64x16xf32, #tpu.memory_space<vmem>>, vector<1x16xf32>,
    %get3A_362 = vector.shape_cast %get3A_361 : vector<1x16xf32> to vector<16xf32>
    %min3A_363 = arith.minimumf %min3A_351, %get3A_362 : vector<16xf32>
    %get3A_364 = arith.constant 61 : i32
    %get3A_365 = arith.index_cast %get3A_364 : i32 to index
    %get3A_366 = arith.constant 0 : index
    %get3A_367 = tpu.vector_load %arg11[%get3A_365, %get3A_366] {strides = array<i32>} : memref<64x16xf32, #tpu.memory_space<vmem>>, vector<1x16xf32>,
    %get3A_368 = vector.shape_cast %get3A_367 : vector<1x16xf32> to vector<16xf32>
    %max3A_369 = arith.maximumf %max3A_357, %get3A_368 : vector<16xf32>
    %get3A_370 = arith.constant 62 : i32
    %get3A_371 = arith.index_cast %get3A_370 : i32 to index
    %get3A_372 = arith.constant 0 : index
    %get3A_373 = tpu.vector_load %arg11[%get3A_371, %get3A_372] {strides = array<i32>} : memref<64x16xf32, #tpu.memory_space<vmem>>, vector<1x16xf32>,
    %get3A_374 = vector.shape_cast %get3A_373 : vector<1x16xf32> to vector<16xf32>
    %min3A_375 = arith.minimumf %min3A_363, %get3A_374 : vector<16xf32>
    %get3A_376 = arith.constant 63 : i32
    %get3A_377 = arith.index_cast %get3A_376 : i32 to index
    %get3A_378 = arith.constant 0 : index
    %get3A_379 = tpu.vector_load %arg11[%get3A_377, %get3A_378] {strides = array<i32>} : memref<64x16xf32, #tpu.memory_space<vmem>>, vector<1x16xf32>,
    %get3A_380 = vector.shape_cast %get3A_379 : vector<1x16xf32> to vector<16xf32>
    %max3A_381 = arith.maximumf %max3A_369, %get3A_380 : vector<16xf32>
    %iota3A = tpu.iota {dimensions = array<i32: 0>} : vector<16xi32>
    %xor3A = arith.constant 8 : i32
    %xor3A_382 = vector.broadcast %xor3A : i32 to vector<16xi32>
    %xor3A_383 = arith.xori %iota3A, %xor3A_382 : vector<16xi32>
    %broadcast_in_dim3A = vector.shape_cast %xor3A_383 : vector<16xi32> to vector<16x1xi32>
    %gather3A = vector.shape_cast %broadcast_in_dim3A : vector<16x1xi32> to vector<16xi32>
    %gather3A_384 = tpu.dynamic_gather %min3A_375[%gather3A] in [0] : vector<16xf32>, vector<16xi32> -> vector<16xf32>
    %min3A_385 = arith.minimumf %min3A_375, %gather3A_384 : vector<16xf32>
    %broadcast_in_dim3A_386 = vector.shape_cast %xor3A_383 : vector<16xi32> to vector<16x1xi32>
    %gather3A_387 = vector.shape_cast %broadcast_in_dim3A_386 : vector<16x1xi32> to vector<16xi32>
    %gather3A_388 = tpu.dynamic_gather %max3A_381[%gather3A_387] in [0] : vector<16xf32>, vector<16xi32> -> vector<16xf32>
    %max3A_389 = arith.maximumf %max3A_381, %gather3A_388 : vector<16xf32>
    %iota3A_390 = tpu.iota {dimensions = array<i32: 0>} : vector<16xi32>
    %xor3A_391 = arith.constant 4 : i32
    %xor3A_392 = vector.broadcast %xor3A_391 : i32 to vector<16xi32>
    %xor3A_393 = arith.xori %iota3A_390, %xor3A_392 : vector<16xi32>
    %broadcast_in_dim3A_394 = vector.shape_cast %xor3A_393 : vector<16xi32> to vector<16x1xi32>
    %gather3A_395 = vector.shape_cast %broadcast_in_dim3A_394 : vector<16x1xi32> to vector<16xi32>
    %gather3A_396 = tpu.dynamic_gather %min3A_385[%gather3A_395] in [0] : vector<16xf32>, vector<16xi32> -> vector<16xf32>
    %min3A_397 = arith.minimumf %min3A_385, %gather3A_396 : vector<16xf32>
    %broadcast_in_dim3A_398 = vector.shape_cast %xor3A_393 : vector<16xi32> to vector<16x1xi32>
    %gather3A_399 = vector.shape_cast %broadcast_in_dim3A_398 : vector<16x1xi32> to vector<16xi32>
    %gather3A_400 = tpu.dynamic_gather %max3A_389[%gather3A_399] in [0] : vector<16xf32>, vector<16xi32> -> vector<16xf32>
    %max3A_401 = arith.maximumf %max3A_389, %gather3A_400 : vector<16xf32>
    %iota3A_402 = tpu.iota {dimensions = array<i32: 0>} : vector<16xi32>
    %xor3A_403 = arith.constant 2 : i32
    %xor3A_404 = vector.broadcast %xor3A_403 : i32 to vector<16xi32>
    %xor3A_405 = arith.xori %iota3A_402, %xor3A_404 : vector<16xi32>
    %broadcast_in_dim3A_406 = vector.shape_cast %xor3A_405 : vector<16xi32> to vector<16x1xi32>
    %gather3A_407 = vector.shape_cast %broadcast_in_dim3A_406 : vector<16x1xi32> to vector<16xi32>
    %gather3A_408 = tpu.dynamic_gather %min3A_397[%gather3A_407] in [0] : vector<16xf32>, vector<16xi32> -> vector<16xf32>
    %min3A_409 = arith.minimumf %min3A_397, %gather3A_408 : vector<16xf32>
    %broadcast_in_dim3A_410 = vector.shape_cast %xor3A_405 : vector<16xi32> to vector<16x1xi32>
    %gather3A_411 = vector.shape_cast %broadcast_in_dim3A_410 : vector<16x1xi32> to vector<16xi32>
    %gather3A_412 = tpu.dynamic_gather %max3A_401[%gather3A_411] in [0] : vector<16xf32>, vector<16xi32> -> vector<16xf32>
    %max3A_413 = arith.maximumf %max3A_401, %gather3A_412 : vector<16xf32>
    %iota3A_414 = tpu.iota {dimensions = array<i32: 0>} : vector<16xi32>
    %xor3A_415 = arith.constant 1 : i32
    %xor3A_416 = vector.broadcast %xor3A_415 : i32 to vector<16xi32>
    %xor3A_417 = arith.xori %iota3A_414, %xor3A_416 : vector<16xi32>
    %broadcast_in_dim3A_418 = vector.shape_cast %xor3A_417 : vector<16xi32> to vector<16x1xi32>
    %gather3A_419 = vector.shape_cast %broadcast_in_dim3A_418 : vector<16x1xi32> to vector<16xi32>
    %gather3A_420 = tpu.dynamic_gather %min3A_409[%gather3A_419] in [0] : vector<16xf32>, vector<16xi32> -> vector<16xf32>
    %min3A_421 = arith.minimumf %min3A_409, %gather3A_420 : vector<16xf32>
    %broadcast_in_dim3A_422 = vector.shape_cast %xor3A_417 : vector<16xi32> to vector<16x1xi32>
    %gather3A_423 = vector.shape_cast %broadcast_in_dim3A_422 : vector<16x1xi32> to vector<16xi32>
    %gather3A_424 = tpu.dynamic_gather %max3A_413[%gather3A_423] in [0] : vector<16xf32>, vector<16xi32> -> vector<16xf32>
    %max3A_425 = arith.maximumf %max3A_413, %gather3A_424 : vector<16xf32>
    %sub3A = arith.subf %max3A_425, %min3A_421 : vector<16xf32>
    %max3A_426 = arith.constant 1.000000e-30 : f32
    %max3A_427 = vector.broadcast %max3A_426 : f32 to vector<16xf32>
    %max3A_428 = arith.maximumf %sub3A, %max3A_427 : vector<16xf32>
    %div3A = arith.constant 6.553500e+04 : f32
    %div3A_429 = vector.broadcast %div3A : f32 to vector<16xf32>
    %div3A_430 = arith.divf %div3A_429, %max3A_428 : vector<16xf32>
    %broadcast_in_dim3A_431 = arith.constant 0.000000e+00 : f32
    %broadcast_in_dim3A_432 = vector.broadcast %broadcast_in_dim3A_431 : f32 to vector<16xf32>
    %scan3A = arith.constant 0 : i32
    %scan3A_433 = arith.constant 0 : i32
    %scan3A_434 = arith.constant 512 : i32
    %scan3A_435 = arith.addi %scan3A_433, %scan3A_434 : i32
    %scan3A_436 = arith.constant 1 : i32
    %scan3A_437 = scf.for %scan3A_511 = %scan3A_433 to %scan3A_435 step %scan3A_436 iter_args(%scan3A_512 = %scan3A) -> (i32)  : i32 {
      %mul3A_513 = arith.constant 16 : i32
      %mul3A_514 = arith.muli %scan3A_511, %mul3A_513 : i32
      %swap3A_515 = arith.index_cast %mul3A_514 : i32 to index
      %swap3A_516 = tpu.vector_load %arg8[%swap3A_515] {strides = array<i32>} : memref<8192xf32, #tpu.memory_space<vmem>>, vector<16xf32>,
      %swap3A_517 = vector.shape_cast %swap3A_516 : vector<16xf32> to vector<16xf32>
      %swap3A_518 = vector.shape_cast %broadcast_in_dim3A_432 : vector<16xf32> to vector<16xf32>
      tpu.vector_store %arg8[%swap3A_515], %swap3A_518 {strides = array<i32>} : memref<8192xf32, #tpu.memory_space<vmem>>, vector<16xf32>,
      %scan3A_519 = arith.constant 0 : i32
      scf.yield %scan3A_519 : i32
    }
    %scan3A_438 = arith.constant 512 : i32
    %mul3A_439 = arith.constant 2 : i32
    %mul3A_440 = arith.muli %arg1, %mul3A_439 : i32
    %mul3A_441 = arith.constant 4096 : i32
    %mul3A_442 = arith.muli %mul3A_440, %mul3A_441 : i32
    "tpu.region"() ({
      %run_scoped3A = tpu.sem_alloc : memref<!tpu.dma_semaphore, #tpu.memory_space<semaphore_mem>>
      %dma_start3A_511 = tpu.memref_slice %arg12[%mul3A_442] : memref<131072xf32, #tpu.memory_space<vmem_shared>> -> memref<8192xf32, #tpu.memory_space<vmem_shared>>
      %dma_start3A_512 = tpu.memref_slice %arg12[%mul3A_442] : memref<131072xf32, #tpu.memory_space<vmem_shared>> -> memref<8192xf32, #tpu.memory_space<vmem_shared>>
      tpu.enqueue_dma source(%arg8 : memref<8192xf32, #tpu.memory_space<vmem>>) target(%dma_start3A_512 : memref<8192xf32, #tpu.memory_space<vmem_shared>>) target_semaphore(%run_scoped3A : memref<!tpu.dma_semaphore, #tpu.memory_space<semaphore_mem>>)
      %dma_wait3A_513 = tpu.memref_slice %arg12[%mul3A_442] : memref<131072xf32, #tpu.memory_space<vmem_shared>> -> memref<8192xf32, #tpu.memory_space<vmem_shared>>
      %dma_wait3A_514 = tpu.memref_slice %arg12[%mul3A_442] : memref<131072xf32, #tpu.memory_space<vmem_shared>> -> memref<8192xf32, #tpu.memory_space<vmem_shared>>
      tpu.wait_dma2 semaphore(%run_scoped3A : memref<!tpu.dma_semaphore, #tpu.memory_space<semaphore_mem>>) src(%arg8 : memref<8192xf32, #tpu.memory_space<vmem>>) dst(%dma_wait3A_514 : memref<8192xf32, #tpu.memory_space<vmem_shared>>)
      tpu.yield
    }) : () -> ()
    %broadcast_in_dim3A_443 = arith.constant 1.000000e+00 : f32
    %broadcast_in_dim3A_444 = vector.broadcast %broadcast_in_dim3A_443 : f32 to vector<16xf32>
    %swap3A = arith.constant 0 : index
    %swap3A_445 = tpu.vector_load %arg10[%swap3A] {strides = array<i32>} : memref<128xf32, #tpu.memory_space<vmem>>, vector<16xf32>,
    %swap3A_446 = vector.shape_cast %swap3A_445 : vector<16xf32> to vector<16xf32>
    %swap3A_447 = vector.shape_cast %broadcast_in_dim3A_444 : vector<16xf32> to vector<16xf32>
    tpu.vector_store %arg10[%swap3A], %swap3A_447 {strides = array<i32>} : memref<128xf32, #tpu.memory_space<vmem>>, vector<16xf32>,
    %swap3A_448 = arith.constant 16 : index
    %swap3A_449 = tpu.vector_load %arg10[%swap3A_448] {strides = array<i32>} : memref<128xf32, #tpu.memory_space<vmem>>, vector<16xf32>,
    %swap3A_450 = vector.shape_cast %swap3A_449 : vector<16xf32> to vector<16xf32>
    %swap3A_451 = vector.shape_cast %broadcast_in_dim3A_444 : vector<16xf32> to vector<16xf32>
    tpu.vector_store %arg10[%swap3A_448], %swap3A_451 {strides = array<i32>} : memref<128xf32, #tpu.memory_space<vmem>>, vector<16xf32>,
    %swap3A_452 = arith.constant 32 : index
    %swap3A_453 = tpu.vector_load %arg10[%swap3A_452] {strides = array<i32>} : memref<128xf32, #tpu.memory_space<vmem>>, vector<16xf32>,
    %swap3A_454 = vector.shape_cast %swap3A_453 : vector<16xf32> to vector<16xf32>
    %swap3A_455 = vector.shape_cast %broadcast_in_dim3A_444 : vector<16xf32> to vector<16xf32>
    tpu.vector_store %arg10[%swap3A_452], %swap3A_455 {strides = array<i32>} : memref<128xf32, #tpu.memory_space<vmem>>, vector<16xf32>,
    %swap3A_456 = arith.constant 48 : index
    %swap3A_457 = tpu.vector_load %arg10[%swap3A_456] {strides = array<i32>} : memref<128xf32, #tpu.memory_space<vmem>>, vector<16xf32>,
    %swap3A_458 = vector.shape_cast %swap3A_457 : vector<16xf32> to vector<16xf32>
    %swap3A_459 = vector.shape_cast %broadcast_in_dim3A_444 : vector<16xf32> to vector<16xf32>
    tpu.vector_store %arg10[%swap3A_456], %swap3A_459 {strides = array<i32>} : memref<128xf32, #tpu.memory_space<vmem>>, vector<16xf32>,
    %swap3A_460 = arith.constant 64 : index
    %swap3A_461 = tpu.vector_load %arg10[%swap3A_460] {strides = array<i32>} : memref<128xf32, #tpu.memory_space<vmem>>, vector<16xf32>,
    %swap3A_462 = vector.shape_cast %swap3A_461 : vector<16xf32> to vector<16xf32>
    %swap3A_463 = vector.shape_cast %broadcast_in_dim3A_444 : vector<16xf32> to vector<16xf32>
    tpu.vector_store %arg10[%swap3A_460], %swap3A_463 {strides = array<i32>} : memref<128xf32, #tpu.memory_space<vmem>>, vector<16xf32>,
    %swap3A_464 = arith.constant 80 : index
    %swap3A_465 = tpu.vector_load %arg10[%swap3A_464] {strides = array<i32>} : memref<128xf32, #tpu.memory_space<vmem>>, vector<16xf32>,
    %swap3A_466 = vector.shape_cast %swap3A_465 : vector<16xf32> to vector<16xf32>
    %swap3A_467 = vector.shape_cast %broadcast_in_dim3A_444 : vector<16xf32> to vector<16xf32>
    tpu.vector_store %arg10[%swap3A_464], %swap3A_467 {strides = array<i32>} : memref<128xf32, #tpu.memory_space<vmem>>, vector<16xf32>,
    %swap3A_468 = arith.constant 96 : index
    %swap3A_469 = tpu.vector_load %arg10[%swap3A_468] {strides = array<i32>} : memref<128xf32, #tpu.memory_space<vmem>>, vector<16xf32>,
    %swap3A_470 = vector.shape_cast %swap3A_469 : vector<16xf32> to vector<16xf32>
    %swap3A_471 = vector.shape_cast %broadcast_in_dim3A_444 : vector<16xf32> to vector<16xf32>
    tpu.vector_store %arg10[%swap3A_468], %swap3A_471 {strides = array<i32>} : memref<128xf32, #tpu.memory_space<vmem>>, vector<16xf32>,
    %swap3A_472 = arith.constant 112 : index
    %swap3A_473 = tpu.vector_load %arg10[%swap3A_472] {strides = array<i32>} : memref<128xf32, #tpu.memory_space<vmem>>, vector<16xf32>,
    %swap3A_474 = vector.shape_cast %swap3A_473 : vector<16xf32> to vector<16xf32>
    %swap3A_475 = vector.shape_cast %broadcast_in_dim3A_444 : vector<16xf32> to vector<16xf32>
    tpu.vector_store %arg10[%swap3A_472], %swap3A_475 {strides = array<i32>} : memref<128xf32, #tpu.memory_space<vmem>>, vector<16xf32>,
    %dma_start3A = arith.constant 0 : i32
    %dma_start3A_476 = tpu.memref_slice %arg6[%dma_start3A] : memref<24576xf32, #tpu.memory_space<vmem>> -> memref<8192xf32, #tpu.memory_space<vmem>>
    %dma_start3A_477 = tpu.memref_slice %arg2[%mul3A_2] : memref<4194304xf32, #tpu.memory_space<hbm>> -> memref<8192xf32, #tpu.memory_space<hbm>>
    %dma_start3A_478 = arith.constant 0 : i32
    %dma_start3A_479 = tpu.memref_slice %arg6[%dma_start3A_478] : memref<24576xf32, #tpu.memory_space<vmem>> -> memref<8192xf32, #tpu.memory_space<vmem>>
    %dma_start3A_480 = tpu.memref_slice %arg2[%mul3A_2] : memref<4194304xf32, #tpu.memory_space<hbm>> -> memref<8192xf32, #tpu.memory_space<hbm>>
    tpu.enqueue_dma source(%dma_start3A_480 : memref<8192xf32, #tpu.memory_space<hbm>>) target(%dma_start3A_479 : memref<8192xf32, #tpu.memory_space<vmem>>) target_semaphore(%arg13 : memref<!tpu.dma_semaphore, #tpu.memory_space<semaphore_mem>>)
    %dma_start3A_481 = arith.constant 0 : i32
    %dma_start3A_482 = tpu.memref_slice %arg7[%dma_start3A_481] : memref<24576xf32, #tpu.memory_space<vmem>> -> memref<8192xf32, #tpu.memory_space<vmem>>
    %dma_start3A_483 = tpu.memref_slice %arg3[%mul3A_2] : memref<4194304xf32, #tpu.memory_space<hbm>> -> memref<8192xf32, #tpu.memory_space<hbm>>
    %dma_start3A_484 = arith.constant 0 : i32
    %dma_start3A_485 = tpu.memref_slice %arg7[%dma_start3A_484] : memref<24576xf32, #tpu.memory_space<vmem>> -> memref<8192xf32, #tpu.memory_space<vmem>>
    %dma_start3A_486 = tpu.memref_slice %arg3[%mul3A_2] : memref<4194304xf32, #tpu.memory_space<hbm>> -> memref<8192xf32, #tpu.memory_space<hbm>>
    tpu.enqueue_dma source(%dma_start3A_486 : memref<8192xf32, #tpu.memory_space<hbm>>) target(%dma_start3A_485 : memref<8192xf32, #tpu.memory_space<vmem>>) target_semaphore(%arg13 : memref<!tpu.dma_semaphore, #tpu.memory_space<semaphore_mem>>)
    %barrier3A = arith.constant 0 : index
    tpu.barrier barrier_id(%barrier3A)
    %scan3A_487 = arith.constant 0 : i32
    %scan3A_488 = arith.constant 0 : i32
    %scan3A_489 = arith.constant 16 : i32
    %scan3A_490 = arith.addi %scan3A_488, %scan3A_489 : i32
    %scan3A_491 = arith.constant 1 : i32
    %scan3A_492 = scf.for %scan3A_511 = %scan3A_488 to %scan3A_490 step %scan3A_491 iter_args(%scan3A_512 = %scan3A_487) -> (i32)  : i32 {
      %rem3A = arith.constant 3 : i32
      %rem3A_513 = arith.remsi %scan3A_511, %rem3A : i32
      %mul3A_514 = arith.constant 8192 : i32
      %mul3A_515 = arith.muli %rem3A_513, %mul3A_514 : i32
      %dma_wait3A_516 = tpu.memref_slice %arg6[%mul3A_515] : memref<24576xf32, #tpu.memory_space<vmem>> -> memref<8192xf32, #tpu.memory_space<vmem>>
      %dma_wait3A_517 = arith.constant 0 : i32
      %dma_wait3A_518 = tpu.memref_slice %arg2[%dma_wait3A_517] : memref<4194304xf32, #tpu.memory_space<hbm>> -> memref<8192xf32, #tpu.memory_space<hbm>>
      %dma_wait3A_519 = tpu.memref_slice %arg6[%mul3A_515] : memref<24576xf32, #tpu.memory_space<vmem>> -> memref<8192xf32, #tpu.memory_space<vmem>>
      %dma_wait3A_520 = arith.constant 0 : i32
      %dma_wait3A_521 = tpu.memref_slice %arg2[%dma_wait3A_520] : memref<4194304xf32, #tpu.memory_space<hbm>> -> memref<8192xf32, #tpu.memory_space<hbm>>
      tpu.wait_dma2 semaphore(%arg13 : memref<!tpu.dma_semaphore, #tpu.memory_space<semaphore_mem>>) src(%dma_wait3A_521 : memref<8192xf32, #tpu.memory_space<hbm>>) dst(%dma_wait3A_519 : memref<8192xf32, #tpu.memory_space<vmem>>)
      %dma_wait3A_522 = tpu.memref_slice %arg7[%mul3A_515] : memref<24576xf32, #tpu.memory_space<vmem>> -> memref<8192xf32, #tpu.memory_space<vmem>>
      %dma_wait3A_523 = arith.constant 0 : i32
      %dma_wait3A_524 = tpu.memref_slice %arg2[%dma_wait3A_523] : memref<4194304xf32, #tpu.memory_space<hbm>> -> memref<8192xf32, #tpu.memory_space<hbm>>
      %dma_wait3A_525 = tpu.memref_slice %arg7[%mul3A_515] : memref<24576xf32, #tpu.memory_space<vmem>> -> memref<8192xf32, #tpu.memory_space<vmem>>
      %dma_wait3A_526 = arith.constant 0 : i32
      %dma_wait3A_527 = tpu.memref_slice %arg2[%dma_wait3A_526] : memref<4194304xf32, #tpu.memory_space<hbm>> -> memref<8192xf32, #tpu.memory_space<hbm>>
      tpu.wait_dma2 semaphore(%arg13 : memref<!tpu.dma_semaphore, #tpu.memory_space<semaphore_mem>>) src(%dma_wait3A_527 : memref<8192xf32, #tpu.memory_space<hbm>>) dst(%dma_wait3A_525 : memref<8192xf32, #tpu.memory_space<vmem>>)
      %lt3A = arith.constant 15 : i32
      %lt3A_528 = arith.cmpi slt, %scan3A_511, %lt3A : i32
      %convert_element_type3A = arith.extui %lt3A_528 : i1 to i32
      %cond3A = arith.constant 0 : i32
      %cond3A_529 = arith.cmpi ne, %convert_element_type3A, %cond3A : i32
      scf.if %cond3A_529 {
        %add3A_549 = arith.constant 1 : i32
        %add3A_550 = arith.addi %scan3A_511, %add3A_549 : i32
        %rem3A_551 = arith.constant 3 : i32
        %rem3A_552 = arith.remsi %add3A_550, %rem3A_551 : i32
        %add3A_553 = arith.constant 1 : i32
        %add3A_554 = arith.addi %scan3A_511, %add3A_553 : i32
        %mul3A_555 = arith.constant 8192 : i32
        %mul3A_556 = arith.muli %add3A_554, %mul3A_555 : i32
        %add3A_557 = arith.addi %mul3A_2, %mul3A_556 : i32
        %mul3A_558 = arith.constant 8192 : i32
        %mul3A_559 = arith.muli %rem3A_552, %mul3A_558 : i32
        %dma_start3A_560 = tpu.memref_slice %arg6[%mul3A_559] : memref<24576xf32, #tpu.memory_space<vmem>> -> memref<8192xf32, #tpu.memory_space<vmem>>
        %dma_start3A_561 = tpu.memref_slice %arg2[%add3A_557] : memref<4194304xf32, #tpu.memory_space<hbm>> -> memref<8192xf32, #tpu.memory_space<hbm>>
        %dma_start3A_562 = tpu.memref_slice %arg6[%mul3A_559] : memref<24576xf32, #tpu.memory_space<vmem>> -> memref<8192xf32, #tpu.memory_space<vmem>>
        %dma_start3A_563 = tpu.memref_slice %arg2[%add3A_557] : memref<4194304xf32, #tpu.memory_space<hbm>> -> memref<8192xf32, #tpu.memory_space<hbm>>
        tpu.enqueue_dma source(%dma_start3A_563 : memref<8192xf32, #tpu.memory_space<hbm>>) target(%dma_start3A_562 : memref<8192xf32, #tpu.memory_space<vmem>>) target_semaphore(%arg13 : memref<!tpu.dma_semaphore, #tpu.memory_space<semaphore_mem>>)
        %mul3A_564 = arith.constant 8192 : i32
        %mul3A_565 = arith.muli %rem3A_552, %mul3A_564 : i32
        %dma_start3A_566 = tpu.memref_slice %arg7[%mul3A_565] : memref<24576xf32, #tpu.memory_space<vmem>> -> memref<8192xf32, #tpu.memory_space<vmem>>
        %dma_start3A_567 = tpu.memref_slice %arg3[%add3A_557] : memref<4194304xf32, #tpu.memory_space<hbm>> -> memref<8192xf32, #tpu.memory_space<hbm>>
        %dma_start3A_568 = tpu.memref_slice %arg7[%mul3A_565] : memref<24576xf32, #tpu.memory_space<vmem>> -> memref<8192xf32, #tpu.memory_space<vmem>>
        %dma_start3A_569 = tpu.memref_slice %arg3[%add3A_557] : memref<4194304xf32, #tpu.memory_space<hbm>> -> memref<8192xf32, #tpu.memory_space<hbm>>
        tpu.enqueue_dma source(%dma_start3A_569 : memref<8192xf32, #tpu.memory_space<hbm>>) target(%dma_start3A_568 : memref<8192xf32, #tpu.memory_space<vmem>>) target_semaphore(%arg13 : memref<!tpu.dma_semaphore, #tpu.memory_space<semaphore_mem>>)
      } else {
      }
      %scan3A_530 = arith.constant 0 : i32
      %scan3A_531 = arith.constant 0 : i32
      %scan3A_532 = arith.constant 64 : i32
      %scan3A_533 = arith.addi %scan3A_531, %scan3A_532 : i32
      %scan3A_534 = arith.constant 1 : i32
      %scan3A_535 = scf.for %scan3A_549 = %scan3A_531 to %scan3A_533 step %scan3A_534 iter_args(%scan3A_550 = %scan3A_530) -> (i32)  : i32 {
        %mul3A_551 = arith.constant 128 : i32
        %mul3A_552 = arith.muli %scan3A_549, %mul3A_551 : i32
        %add3A_553 = arith.addi %mul3A_515, %mul3A_552 : i32
        %add3A_554 = arith.constant 0 : i32
        %add3A_555 = arith.addi %add3A_553, %add3A_554 : i32
        %get3A_556 = arith.index_cast %add3A_555 : i32 to index
        %get3A_557 = tpu.vector_load %arg6[%get3A_556] {strides = array<i32>} : memref<24576xf32, #tpu.memory_space<vmem>>, vector<16xf32>,
        %get3A_558 = vector.shape_cast %get3A_557 : vector<16xf32> to vector<16xf32>
        %get3A_559 = arith.index_cast %add3A_555 : i32 to index
        %get3A_560 = tpu.vector_load %arg7[%get3A_559] {strides = array<i32>} : memref<24576xf32, #tpu.memory_space<vmem>>, vector<16xf32>,
        %get3A_561 = vector.shape_cast %get3A_560 : vector<16xf32> to vector<16xf32>
        %mul3A_562 = arith.constant 2.000000e+00 : f32
        %mul3A_563 = vector.broadcast %mul3A_562 : f32 to vector<16xf32>
        %mul3A_564 = arith.mulf %mul3A_563, %get3A_561 : vector<16xf32>
        %sub3A_565 = arith.constant 1.000000e+00 : f32
        %sub3A_566 = vector.broadcast %sub3A_565 : f32 to vector<16xf32>
        %sub3A_567 = arith.subf %mul3A_564, %sub3A_566 : vector<16xf32>
        %mul3A_568 = arith.mulf %get3A_558, %sub3A_567 : vector<16xf32>
        %sub3A_569 = arith.constant 1.000000e+00 : f32
        %sub3A_570 = vector.broadcast %sub3A_569 : f32 to vector<16xf32>
        %sub3A_571 = arith.subf %sub3A_570, %mul3A_568 : vector<16xf32>
        %sub3A_572 = arith.subf %max3A_425, %sub3A_571 : vector<16xf32>
        %mul3A_573 = arith.mulf %sub3A_572, %div3A_430 : vector<16xf32>
        %jit3A = arith.constant 0.000000e+00 : f32
        %jit3A_574 = arith.constant 6.553500e+04 : f32
        %max3A_575 = vector.broadcast %jit3A : f32 to vector<16xf32>
        %max3A_576 = arith.maximumf %max3A_575, %mul3A_573 : vector<16xf32>
        %min3A_577 = vector.broadcast %jit3A_574 : f32 to vector<16xf32>
        %min3A_578 = arith.minimumf %min3A_577, %max3A_576 : vector<16xf32>
        %mul3A_579 = arith.constant 6.553600e+04 : f32
        %mul3A_580 = vector.broadcast %mul3A_579 : f32 to vector<16xf32>
        %mul3A_581 = arith.mulf %get3A_561, %mul3A_580 : vector<16xf32>
        %add3A_582 = arith.addf %min3A_578, %mul3A_581 : vector<16xf32>
        %convert_element_type3A_583 = arith.fptosi %add3A_582 : vector<16xf32> to vector<16xi32>
        %mul3A_584 = arith.constant 64 : i32
        %mul3A_585 = arith.muli %rem3A_513, %mul3A_584 : i32
        %add3A_586 = arith.addi %mul3A_585, %scan3A_549 : i32
        %swap3A_587 = arith.index_cast %add3A_586 : i32 to index
        %swap3A_588 = arith.constant 0 : index
        %swap3A_589 = tpu.vector_load %arg9[%swap3A_587, %swap3A_588] {strides = array<i32>} : memref<192x128xi32, #tpu.memory_space<vmem>>, vector<1x16xi32>,
        %swap3A_590 = vector.shape_cast %swap3A_589 : vector<1x16xi32> to vector<16xi32>
        %swap3A_591 = vector.shape_cast %convert_element_type3A_583 : vector<16xi32> to vector<1x16xi32>
        tpu.vector_store %arg9[%swap3A_587, %swap3A_588], %swap3A_591 {strides = array<i32>} : memref<192x128xi32, #tpu.memory_space<vmem>>, vector<1x16xi32>,
        %mul3A_592 = arith.constant 128 : i32
        %mul3A_593 = arith.muli %scan3A_549, %mul3A_592 : i32
        %add3A_594 = arith.addi %mul3A_515, %mul3A_593 : i32
        %add3A_595 = arith.constant 16 : i32
        %add3A_596 = arith.addi %add3A_594, %add3A_595 : i32
        %get3A_597 = arith.index_cast %add3A_596 : i32 to index
        %get3A_598 = tpu.vector_load %arg6[%get3A_597] {strides = array<i32>} : memref<24576xf32, #tpu.memory_space<vmem>>, vector<16xf32>,
        %get3A_599 = vector.shape_cast %get3A_598 : vector<16xf32> to vector<16xf32>
        %get3A_600 = arith.index_cast %add3A_596 : i32 to index
        %get3A_601 = tpu.vector_load %arg7[%get3A_600] {strides = array<i32>} : memref<24576xf32, #tpu.memory_space<vmem>>, vector<16xf32>,
        %get3A_602 = vector.shape_cast %get3A_601 : vector<16xf32> to vector<16xf32>
        %mul3A_603 = arith.constant 2.000000e+00 : f32
        %mul3A_604 = vector.broadcast %mul3A_603 : f32 to vector<16xf32>
        %mul3A_605 = arith.mulf %mul3A_604, %get3A_602 : vector<16xf32>
        %sub3A_606 = arith.constant 1.000000e+00 : f32
        %sub3A_607 = vector.broadcast %sub3A_606 : f32 to vector<16xf32>
        %sub3A_608 = arith.subf %mul3A_605, %sub3A_607 : vector<16xf32>
        %mul3A_609 = arith.mulf %get3A_599, %sub3A_608 : vector<16xf32>
        %sub3A_610 = arith.constant 1.000000e+00 : f32
        %sub3A_611 = vector.broadcast %sub3A_610 : f32 to vector<16xf32>
        %sub3A_612 = arith.subf %sub3A_611, %mul3A_609 : vector<16xf32>
        %sub3A_613 = arith.subf %max3A_425, %sub3A_612 : vector<16xf32>
        %mul3A_614 = arith.mulf %sub3A_613, %div3A_430 : vector<16xf32>
        %jit3A_615 = arith.constant 0.000000e+00 : f32
        %jit3A_616 = arith.constant 6.553500e+04 : f32
        %max3A_617 = vector.broadcast %jit3A_615 : f32 to vector<16xf32>
        %max3A_618 = arith.maximumf %max3A_617, %mul3A_614 : vector<16xf32>
        %min3A_619 = vector.broadcast %jit3A_616 : f32 to vector<16xf32>
        %min3A_620 = arith.minimumf %min3A_619, %max3A_618 : vector<16xf32>
        %mul3A_621 = arith.constant 6.553600e+04 : f32
        %mul3A_622 = vector.broadcast %mul3A_621 : f32 to vector<16xf32>
        %mul3A_623 = arith.mulf %get3A_602, %mul3A_622 : vector<16xf32>
        %add3A_624 = arith.addf %min3A_620, %mul3A_623 : vector<16xf32>
        %convert_element_type3A_625 = arith.fptosi %add3A_624 : vector<16xf32> to vector<16xi32>
        %mul3A_626 = arith.constant 64 : i32
        %mul3A_627 = arith.muli %rem3A_513, %mul3A_626 : i32
        %add3A_628 = arith.addi %mul3A_627, %scan3A_549 : i32
        %swap3A_629 = arith.index_cast %add3A_628 : i32 to index
        %swap3A_630 = arith.constant 16 : index
        %swap3A_631 = tpu.vector_load %arg9[%swap3A_629, %swap3A_630] {strides = array<i32>} : memref<192x128xi32, #tpu.memory_space<vmem>>, vector<1x16xi32>,
        %swap3A_632 = vector.shape_cast %swap3A_631 : vector<1x16xi32> to vector<16xi32>
        %swap3A_633 = vector.shape_cast %convert_element_type3A_625 : vector<16xi32> to vector<1x16xi32>
        tpu.vector_store %arg9[%swap3A_629, %swap3A_630], %swap3A_633 {strides = array<i32>} : memref<192x128xi32, #tpu.memory_space<vmem>>, vector<1x16xi32>,
        %mul3A_634 = arith.constant 128 : i32
        %mul3A_635 = arith.muli %scan3A_549, %mul3A_634 : i32
        %add3A_636 = arith.addi %mul3A_515, %mul3A_635 : i32
        %add3A_637 = arith.constant 32 : i32
        %add3A_638 = arith.addi %add3A_636, %add3A_637 : i32
        %get3A_639 = arith.index_cast %add3A_638 : i32 to index
        %get3A_640 = tpu.vector_load %arg6[%get3A_639] {strides = array<i32>} : memref<24576xf32, #tpu.memory_space<vmem>>, vector<16xf32>,
        %get3A_641 = vector.shape_cast %get3A_640 : vector<16xf32> to vector<16xf32>
        %get3A_642 = arith.index_cast %add3A_638 : i32 to index
        %get3A_643 = tpu.vector_load %arg7[%get3A_642] {strides = array<i32>} : memref<24576xf32, #tpu.memory_space<vmem>>, vector<16xf32>,
        %get3A_644 = vector.shape_cast %get3A_643 : vector<16xf32> to vector<16xf32>
        %mul3A_645 = arith.constant 2.000000e+00 : f32
        %mul3A_646 = vector.broadcast %mul3A_645 : f32 to vector<16xf32>
        %mul3A_647 = arith.mulf %mul3A_646, %get3A_644 : vector<16xf32>
        %sub3A_648 = arith.constant 1.000000e+00 : f32
        %sub3A_649 = vector.broadcast %sub3A_648 : f32 to vector<16xf32>
        %sub3A_650 = arith.subf %mul3A_647, %sub3A_649 : vector<16xf32>
        %mul3A_651 = arith.mulf %get3A_641, %sub3A_650 : vector<16xf32>
        %sub3A_652 = arith.constant 1.000000e+00 : f32
        %sub3A_653 = vector.broadcast %sub3A_652 : f32 to vector<16xf32>
        %sub3A_654 = arith.subf %sub3A_653, %mul3A_651 : vector<16xf32>
        %sub3A_655 = arith.subf %max3A_425, %sub3A_654 : vector<16xf32>
        %mul3A_656 = arith.mulf %sub3A_655, %div3A_430 : vector<16xf32>
        %jit3A_657 = arith.constant 0.000000e+00 : f32
        %jit3A_658 = arith.constant 6.553500e+04 : f32
        %max3A_659 = vector.broadcast %jit3A_657 : f32 to vector<16xf32>
        %max3A_660 = arith.maximumf %max3A_659, %mul3A_656 : vector<16xf32>
        %min3A_661 = vector.broadcast %jit3A_658 : f32 to vector<16xf32>
        %min3A_662 = arith.minimumf %min3A_661, %max3A_660 : vector<16xf32>
        %mul3A_663 = arith.constant 6.553600e+04 : f32
        %mul3A_664 = vector.broadcast %mul3A_663 : f32 to vector<16xf32>
        %mul3A_665 = arith.mulf %get3A_644, %mul3A_664 : vector<16xf32>
        %add3A_666 = arith.addf %min3A_662, %mul3A_665 : vector<16xf32>
        %convert_element_type3A_667 = arith.fptosi %add3A_666 : vector<16xf32> to vector<16xi32>
        %mul3A_668 = arith.constant 64 : i32
        %mul3A_669 = arith.muli %rem3A_513, %mul3A_668 : i32
        %add3A_670 = arith.addi %mul3A_669, %scan3A_549 : i32
        %swap3A_671 = arith.index_cast %add3A_670 : i32 to index
        %swap3A_672 = arith.constant 32 : index
        %swap3A_673 = tpu.vector_load %arg9[%swap3A_671, %swap3A_672] {strides = array<i32>} : memref<192x128xi32, #tpu.memory_space<vmem>>, vector<1x16xi32>,
        %swap3A_674 = vector.shape_cast %swap3A_673 : vector<1x16xi32> to vector<16xi32>
        %swap3A_675 = vector.shape_cast %convert_element_type3A_667 : vector<16xi32> to vector<1x16xi32>
        tpu.vector_store %arg9[%swap3A_671, %swap3A_672], %swap3A_675 {strides = array<i32>} : memref<192x128xi32, #tpu.memory_space<vmem>>, vector<1x16xi32>,
        %mul3A_676 = arith.constant 128 : i32
        %mul3A_677 = arith.muli %scan3A_549, %mul3A_676 : i32
        %add3A_678 = arith.addi %mul3A_515, %mul3A_677 : i32
        %add3A_679 = arith.constant 48 : i32
        %add3A_680 = arith.addi %add3A_678, %add3A_679 : i32
        %get3A_681 = arith.index_cast %add3A_680 : i32 to index
        %get3A_682 = tpu.vector_load %arg6[%get3A_681] {strides = array<i32>} : memref<24576xf32, #tpu.memory_space<vmem>>, vector<16xf32>,
        %get3A_683 = vector.shape_cast %get3A_682 : vector<16xf32> to vector<16xf32>
        %get3A_684 = arith.index_cast %add3A_680 : i32 to index
        %get3A_685 = tpu.vector_load %arg7[%get3A_684] {strides = array<i32>} : memref<24576xf32, #tpu.memory_space<vmem>>, vector<16xf32>,
        %get3A_686 = vector.shape_cast %get3A_685 : vector<16xf32> to vector<16xf32>
        %mul3A_687 = arith.constant 2.000000e+00 : f32
        %mul3A_688 = vector.broadcast %mul3A_687 : f32 to vector<16xf32>
        %mul3A_689 = arith.mulf %mul3A_688, %get3A_686 : vector<16xf32>
        %sub3A_690 = arith.constant 1.000000e+00 : f32
        %sub3A_691 = vector.broadcast %sub3A_690 : f32 to vector<16xf32>
        %sub3A_692 = arith.subf %mul3A_689, %sub3A_691 : vector<16xf32>
        %mul3A_693 = arith.mulf %get3A_683, %sub3A_692 : vector<16xf32>
        %sub3A_694 = arith.constant 1.000000e+00 : f32
        %sub3A_695 = vector.broadcast %sub3A_694 : f32 to vector<16xf32>
        %sub3A_696 = arith.subf %sub3A_695, %mul3A_693 : vector<16xf32>
        %sub3A_697 = arith.subf %max3A_425, %sub3A_696 : vector<16xf32>
        %mul3A_698 = arith.mulf %sub3A_697, %div3A_430 : vector<16xf32>
        %jit3A_699 = arith.constant 0.000000e+00 : f32
        %jit3A_700 = arith.constant 6.553500e+04 : f32
        %max3A_701 = vector.broadcast %jit3A_699 : f32 to vector<16xf32>
        %max3A_702 = arith.maximumf %max3A_701, %mul3A_698 : vector<16xf32>
        %min3A_703 = vector.broadcast %jit3A_700 : f32 to vector<16xf32>
        %min3A_704 = arith.minimumf %min3A_703, %max3A_702 : vector<16xf32>
        %mul3A_705 = arith.constant 6.553600e+04 : f32
        %mul3A_706 = vector.broadcast %mul3A_705 : f32 to vector<16xf32>
        %mul3A_707 = arith.mulf %get3A_686, %mul3A_706 : vector<16xf32>
        %add3A_708 = arith.addf %min3A_704, %mul3A_707 : vector<16xf32>
        %convert_element_type3A_709 = arith.fptosi %add3A_708 : vector<16xf32> to vector<16xi32>
        %mul3A_710 = arith.constant 64 : i32
        %mul3A_711 = arith.muli %rem3A_513, %mul3A_710 : i32
        %add3A_712 = arith.addi %mul3A_711, %scan3A_549 : i32
        %swap3A_713 = arith.index_cast %add3A_712 : i32 to index
        %swap3A_714 = arith.constant 48 : index
        %swap3A_715 = tpu.vector_load %arg9[%swap3A_713, %swap3A_714] {strides = array<i32>} : memref<192x128xi32, #tpu.memory_space<vmem>>, vector<1x16xi32>,
        %swap3A_716 = vector.shape_cast %swap3A_715 : vector<1x16xi32> to vector<16xi32>
        %swap3A_717 = vector.shape_cast %convert_element_type3A_709 : vector<16xi32> to vector<1x16xi32>
        tpu.vector_store %arg9[%swap3A_713, %swap3A_714], %swap3A_717 {strides = array<i32>} : memref<192x128xi32, #tpu.memory_space<vmem>>, vector<1x16xi32>,
        %mul3A_718 = arith.constant 128 : i32
        %mul3A_719 = arith.muli %scan3A_549, %mul3A_718 : i32
        %add3A_720 = arith.addi %mul3A_515, %mul3A_719 : i32
        %add3A_721 = arith.constant 64 : i32
        %add3A_722 = arith.addi %add3A_720, %add3A_721 : i32
        %get3A_723 = arith.index_cast %add3A_722 : i32 to index
        %get3A_724 = tpu.vector_load %arg6[%get3A_723] {strides = array<i32>} : memref<24576xf32, #tpu.memory_space<vmem>>, vector<16xf32>,
        %get3A_725 = vector.shape_cast %get3A_724 : vector<16xf32> to vector<16xf32>
        %get3A_726 = arith.index_cast %add3A_722 : i32 to index
        %get3A_727 = tpu.vector_load %arg7[%get3A_726] {strides = array<i32>} : memref<24576xf32, #tpu.memory_space<vmem>>, vector<16xf32>,
        %get3A_728 = vector.shape_cast %get3A_727 : vector<16xf32> to vector<16xf32>
        %mul3A_729 = arith.constant 2.000000e+00 : f32
        %mul3A_730 = vector.broadcast %mul3A_729 : f32 to vector<16xf32>
        %mul3A_731 = arith.mulf %mul3A_730, %get3A_728 : vector<16xf32>
        %sub3A_732 = arith.constant 1.000000e+00 : f32
        %sub3A_733 = vector.broadcast %sub3A_732 : f32 to vector<16xf32>
        %sub3A_734 = arith.subf %mul3A_731, %sub3A_733 : vector<16xf32>
        %mul3A_735 = arith.mulf %get3A_725, %sub3A_734 : vector<16xf32>
        %sub3A_736 = arith.constant 1.000000e+00 : f32
        %sub3A_737 = vector.broadcast %sub3A_736 : f32 to vector<16xf32>
        %sub3A_738 = arith.subf %sub3A_737, %mul3A_735 : vector<16xf32>
        %sub3A_739 = arith.subf %max3A_425, %sub3A_738 : vector<16xf32>
        %mul3A_740 = arith.mulf %sub3A_739, %div3A_430 : vector<16xf32>
        %jit3A_741 = arith.constant 0.000000e+00 : f32
        %jit3A_742 = arith.constant 6.553500e+04 : f32
        %max3A_743 = vector.broadcast %jit3A_741 : f32 to vector<16xf32>
        %max3A_744 = arith.maximumf %max3A_743, %mul3A_740 : vector<16xf32>
        %min3A_745 = vector.broadcast %jit3A_742 : f32 to vector<16xf32>
        %min3A_746 = arith.minimumf %min3A_745, %max3A_744 : vector<16xf32>
        %mul3A_747 = arith.constant 6.553600e+04 : f32
        %mul3A_748 = vector.broadcast %mul3A_747 : f32 to vector<16xf32>
        %mul3A_749 = arith.mulf %get3A_728, %mul3A_748 : vector<16xf32>
        %add3A_750 = arith.addf %min3A_746, %mul3A_749 : vector<16xf32>
        %convert_element_type3A_751 = arith.fptosi %add3A_750 : vector<16xf32> to vector<16xi32>
        %mul3A_752 = arith.constant 64 : i32
        %mul3A_753 = arith.muli %rem3A_513, %mul3A_752 : i32
        %add3A_754 = arith.addi %mul3A_753, %scan3A_549 : i32
        %swap3A_755 = arith.index_cast %add3A_754 : i32 to index
        %swap3A_756 = arith.constant 64 : index
        %swap3A_757 = tpu.vector_load %arg9[%swap3A_755, %swap3A_756] {strides = array<i32>} : memref<192x128xi32, #tpu.memory_space<vmem>>, vector<1x16xi32>,
        %swap3A_758 = vector.shape_cast %swap3A_757 : vector<1x16xi32> to vector<16xi32>
        %swap3A_759 = vector.shape_cast %convert_element_type3A_751 : vector<16xi32> to vector<1x16xi32>
        tpu.vector_store %arg9[%swap3A_755, %swap3A_756], %swap3A_759 {strides = array<i32>} : memref<192x128xi32, #tpu.memory_space<vmem>>, vector<1x16xi32>,
        %mul3A_760 = arith.constant 128 : i32
        %mul3A_761 = arith.muli %scan3A_549, %mul3A_760 : i32
        %add3A_762 = arith.addi %mul3A_515, %mul3A_761 : i32
        %add3A_763 = arith.constant 80 : i32
        %add3A_764 = arith.addi %add3A_762, %add3A_763 : i32
        %get3A_765 = arith.index_cast %add3A_764 : i32 to index
        %get3A_766 = tpu.vector_load %arg6[%get3A_765] {strides = array<i32>} : memref<24576xf32, #tpu.memory_space<vmem>>, vector<16xf32>,
        %get3A_767 = vector.shape_cast %get3A_766 : vector<16xf32> to vector<16xf32>
        %get3A_768 = arith.index_cast %add3A_764 : i32 to index
        %get3A_769 = tpu.vector_load %arg7[%get3A_768] {strides = array<i32>} : memref<24576xf32, #tpu.memory_space<vmem>>, vector<16xf32>,
        %get3A_770 = vector.shape_cast %get3A_769 : vector<16xf32> to vector<16xf32>
        %mul3A_771 = arith.constant 2.000000e+00 : f32
        %mul3A_772 = vector.broadcast %mul3A_771 : f32 to vector<16xf32>
        %mul3A_773 = arith.mulf %mul3A_772, %get3A_770 : vector<16xf32>
        %sub3A_774 = arith.constant 1.000000e+00 : f32
        %sub3A_775 = vector.broadcast %sub3A_774 : f32 to vector<16xf32>
        %sub3A_776 = arith.subf %mul3A_773, %sub3A_775 : vector<16xf32>
        %mul3A_777 = arith.mulf %get3A_767, %sub3A_776 : vector<16xf32>
        %sub3A_778 = arith.constant 1.000000e+00 : f32
        %sub3A_779 = vector.broadcast %sub3A_778 : f32 to vector<16xf32>
        %sub3A_780 = arith.subf %sub3A_779, %mul3A_777 : vector<16xf32>
        %sub3A_781 = arith.subf %max3A_425, %sub3A_780 : vector<16xf32>
        %mul3A_782 = arith.mulf %sub3A_781, %div3A_430 : vector<16xf32>
        %jit3A_783 = arith.constant 0.000000e+00 : f32
        %jit3A_784 = arith.constant 6.553500e+04 : f32
        %max3A_785 = vector.broadcast %jit3A_783 : f32 to vector<16xf32>
        %max3A_786 = arith.maximumf %max3A_785, %mul3A_782 : vector<16xf32>
        %min3A_787 = vector.broadcast %jit3A_784 : f32 to vector<16xf32>
        %min3A_788 = arith.minimumf %min3A_787, %max3A_786 : vector<16xf32>
        %mul3A_789 = arith.constant 6.553600e+04 : f32
        %mul3A_790 = vector.broadcast %mul3A_789 : f32 to vector<16xf32>
        %mul3A_791 = arith.mulf %get3A_770, %mul3A_790 : vector<16xf32>
        %add3A_792 = arith.addf %min3A_788, %mul3A_791 : vector<16xf32>
        %convert_element_type3A_793 = arith.fptosi %add3A_792 : vector<16xf32> to vector<16xi32>
        %mul3A_794 = arith.constant 64 : i32
        %mul3A_795 = arith.muli %rem3A_513, %mul3A_794 : i32
        %add3A_796 = arith.addi %mul3A_795, %scan3A_549 : i32
        %swap3A_797 = arith.index_cast %add3A_796 : i32 to index
        %swap3A_798 = arith.constant 80 : index
        %swap3A_799 = tpu.vector_load %arg9[%swap3A_797, %swap3A_798] {strides = array<i32>} : memref<192x128xi32, #tpu.memory_space<vmem>>, vector<1x16xi32>,
        %swap3A_800 = vector.shape_cast %swap3A_799 : vector<1x16xi32> to vector<16xi32>
        %swap3A_801 = vector.shape_cast %convert_element_type3A_793 : vector<16xi32> to vector<1x16xi32>
        tpu.vector_store %arg9[%swap3A_797, %swap3A_798], %swap3A_801 {strides = array<i32>} : memref<192x128xi32, #tpu.memory_space<vmem>>, vector<1x16xi32>,
        %mul3A_802 = arith.constant 128 : i32
        %mul3A_803 = arith.muli %scan3A_549, %mul3A_802 : i32
        %add3A_804 = arith.addi %mul3A_515, %mul3A_803 : i32
        %add3A_805 = arith.constant 96 : i32
        %add3A_806 = arith.addi %add3A_804, %add3A_805 : i32
        %get3A_807 = arith.index_cast %add3A_806 : i32 to index
        %get3A_808 = tpu.vector_load %arg6[%get3A_807] {strides = array<i32>} : memref<24576xf32, #tpu.memory_space<vmem>>, vector<16xf32>,
        %get3A_809 = vector.shape_cast %get3A_808 : vector<16xf32> to vector<16xf32>
        %get3A_810 = arith.index_cast %add3A_806 : i32 to index
        %get3A_811 = tpu.vector_load %arg7[%get3A_810] {strides = array<i32>} : memref<24576xf32, #tpu.memory_space<vmem>>, vector<16xf32>,
        %get3A_812 = vector.shape_cast %get3A_811 : vector<16xf32> to vector<16xf32>
        %mul3A_813 = arith.constant 2.000000e+00 : f32
        %mul3A_814 = vector.broadcast %mul3A_813 : f32 to vector<16xf32>
        %mul3A_815 = arith.mulf %mul3A_814, %get3A_812 : vector<16xf32>
        %sub3A_816 = arith.constant 1.000000e+00 : f32
        %sub3A_817 = vector.broadcast %sub3A_816 : f32 to vector<16xf32>
        %sub3A_818 = arith.subf %mul3A_815, %sub3A_817 : vector<16xf32>
        %mul3A_819 = arith.mulf %get3A_809, %sub3A_818 : vector<16xf32>
        %sub3A_820 = arith.constant 1.000000e+00 : f32
        %sub3A_821 = vector.broadcast %sub3A_820 : f32 to vector<16xf32>
        %sub3A_822 = arith.subf %sub3A_821, %mul3A_819 : vector<16xf32>
        %sub3A_823 = arith.subf %max3A_425, %sub3A_822 : vector<16xf32>
        %mul3A_824 = arith.mulf %sub3A_823, %div3A_430 : vector<16xf32>
        %jit3A_825 = arith.constant 0.000000e+00 : f32
        %jit3A_826 = arith.constant 6.553500e+04 : f32
        %max3A_827 = vector.broadcast %jit3A_825 : f32 to vector<16xf32>
        %max3A_828 = arith.maximumf %max3A_827, %mul3A_824 : vector<16xf32>
        %min3A_829 = vector.broadcast %jit3A_826 : f32 to vector<16xf32>
        %min3A_830 = arith.minimumf %min3A_829, %max3A_828 : vector<16xf32>
        %mul3A_831 = arith.constant 6.553600e+04 : f32
        %mul3A_832 = vector.broadcast %mul3A_831 : f32 to vector<16xf32>
        %mul3A_833 = arith.mulf %get3A_812, %mul3A_832 : vector<16xf32>
        %add3A_834 = arith.addf %min3A_830, %mul3A_833 : vector<16xf32>
        %convert_element_type3A_835 = arith.fptosi %add3A_834 : vector<16xf32> to vector<16xi32>
        %mul3A_836 = arith.constant 64 : i32
        %mul3A_837 = arith.muli %rem3A_513, %mul3A_836 : i32
        %add3A_838 = arith.addi %mul3A_837, %scan3A_549 : i32
        %swap3A_839 = arith.index_cast %add3A_838 : i32 to index
        %swap3A_840 = arith.constant 96 : index
        %swap3A_841 = tpu.vector_load %arg9[%swap3A_839, %swap3A_840] {strides = array<i32>} : memref<192x128xi32, #tpu.memory_space<vmem>>, vector<1x16xi32>,
        %swap3A_842 = vector.shape_cast %swap3A_841 : vector<1x16xi32> to vector<16xi32>
        %swap3A_843 = vector.shape_cast %convert_element_type3A_835 : vector<16xi32> to vector<1x16xi32>
        tpu.vector_store %arg9[%swap3A_839, %swap3A_840], %swap3A_843 {strides = array<i32>} : memref<192x128xi32, #tpu.memory_space<vmem>>, vector<1x16xi32>,
        %mul3A_844 = arith.constant 128 : i32
        %mul3A_845 = arith.muli %scan3A_549, %mul3A_844 : i32
        %add3A_846 = arith.addi %mul3A_515, %mul3A_845 : i32
        %add3A_847 = arith.constant 112 : i32
        %add3A_848 = arith.addi %add3A_846, %add3A_847 : i32
        %get3A_849 = arith.index_cast %add3A_848 : i32 to index
        %get3A_850 = tpu.vector_load %arg6[%get3A_849] {strides = array<i32>} : memref<24576xf32, #tpu.memory_space<vmem>>, vector<16xf32>,
        %get3A_851 = vector.shape_cast %get3A_850 : vector<16xf32> to vector<16xf32>
        %get3A_852 = arith.index_cast %add3A_848 : i32 to index
        %get3A_853 = tpu.vector_load %arg7[%get3A_852] {strides = array<i32>} : memref<24576xf32, #tpu.memory_space<vmem>>, vector<16xf32>,
        %get3A_854 = vector.shape_cast %get3A_853 : vector<16xf32> to vector<16xf32>
        %mul3A_855 = arith.constant 2.000000e+00 : f32
        %mul3A_856 = vector.broadcast %mul3A_855 : f32 to vector<16xf32>
        %mul3A_857 = arith.mulf %mul3A_856, %get3A_854 : vector<16xf32>
        %sub3A_858 = arith.constant 1.000000e+00 : f32
        %sub3A_859 = vector.broadcast %sub3A_858 : f32 to vector<16xf32>
        %sub3A_860 = arith.subf %mul3A_857, %sub3A_859 : vector<16xf32>
        %mul3A_861 = arith.mulf %get3A_851, %sub3A_860 : vector<16xf32>
        %sub3A_862 = arith.constant 1.000000e+00 : f32
        %sub3A_863 = vector.broadcast %sub3A_862 : f32 to vector<16xf32>
        %sub3A_864 = arith.subf %sub3A_863, %mul3A_861 : vector<16xf32>
        %sub3A_865 = arith.subf %max3A_425, %sub3A_864 : vector<16xf32>
        %mul3A_866 = arith.mulf %sub3A_865, %div3A_430 : vector<16xf32>
        %jit3A_867 = arith.constant 0.000000e+00 : f32
        %jit3A_868 = arith.constant 6.553500e+04 : f32
        %max3A_869 = vector.broadcast %jit3A_867 : f32 to vector<16xf32>
        %max3A_870 = arith.maximumf %max3A_869, %mul3A_866 : vector<16xf32>
        %min3A_871 = vector.broadcast %jit3A_868 : f32 to vector<16xf32>
        %min3A_872 = arith.minimumf %min3A_871, %max3A_870 : vector<16xf32>
        %mul3A_873 = arith.constant 6.553600e+04 : f32
        %mul3A_874 = vector.broadcast %mul3A_873 : f32 to vector<16xf32>
        %mul3A_875 = arith.mulf %get3A_854, %mul3A_874 : vector<16xf32>
        %add3A_876 = arith.addf %min3A_872, %mul3A_875 : vector<16xf32>
        %convert_element_type3A_877 = arith.fptosi %add3A_876 : vector<16xf32> to vector<16xi32>
        %mul3A_878 = arith.constant 64 : i32
        %mul3A_879 = arith.muli %rem3A_513, %mul3A_878 : i32
        %add3A_880 = arith.addi %mul3A_879, %scan3A_549 : i32
        %swap3A_881 = arith.index_cast %add3A_880 : i32 to index
        %swap3A_882 = arith.constant 112 : index
        %swap3A_883 = tpu.vector_load %arg9[%swap3A_881, %swap3A_882] {strides = array<i32>} : memref<192x128xi32, #tpu.memory_space<vmem>>, vector<1x16xi32>,
        %swap3A_884 = vector.shape_cast %swap3A_883 : vector<1x16xi32> to vector<16xi32>
        %swap3A_885 = vector.shape_cast %convert_element_type3A_877 : vector<16xi32> to vector<1x16xi32>
        tpu.vector_store %arg9[%swap3A_881, %swap3A_882], %swap3A_885 {strides = array<i32>} : memref<192x128xi32, #tpu.memory_space<vmem>>, vector<1x16xi32>,
        %scan3A_886 = arith.constant 0 : i32
        scf.yield %scan3A_886 : i32
      }
      %scan3A_536 = arith.constant 64 : i32
      %gt3A = arith.constant 0 : i32
      %gt3A_537 = arith.cmpi sgt, %scan3A_511, %gt3A : i32
      %convert_element_type3A_538 = arith.extui %gt3A_537 : i1 to i32
      %cond3A_539 = arith.constant 0 : i32
      %cond3A_540 = arith.cmpi ne, %convert_element_type3A_538, %cond3A_539 : i32
      scf.if %cond3A_540 {
        %dma_wait3A_549 = arith.constant 0 : i32
        %dma_wait3A_550 = tpu.memref_slice %arg2[%dma_wait3A_549] : memref<4194304xf32, #tpu.memory_space<hbm>> -> memref<8192xf32, #tpu.memory_space<hbm>>
        %dma_wait3A_551 = arith.constant 0 : i32
        %dma_wait3A_552 = tpu.memref_slice %arg2[%dma_wait3A_551] : memref<4194304xf32, #tpu.memory_space<hbm>> -> memref<8192xf32, #tpu.memory_space<hbm>>
        tpu.wait_dma2 semaphore(%arg14 : memref<!tpu.dma_semaphore, #tpu.memory_space<semaphore_mem>>) src(%dma_wait3A_552 : memref<8192xf32, #tpu.memory_space<hbm>>) dst(%arg8 : memref<8192xf32, #tpu.memory_space<vmem>>)
      } else {
      }
      %scan3A_541 = arith.constant 0 : i32
      %scan3A_542 = arith.constant 0 : i32
      %scan3A_543 = arith.constant 64 : i32
      %scan3A_544 = arith.addi %scan3A_542, %scan3A_543 : i32
      %scan3A_545 = arith.constant 1 : i32
      %scan3A_546 = scf.for %scan3A_549 = %scan3A_542 to %scan3A_544 step %scan3A_545 iter_args(%scan3A_550 = %scan3A_541) -> (i32)  : i32 {
        %mul3A_551 = arith.constant 64 : i32
        %mul3A_552 = arith.muli %rem3A_513, %mul3A_551 : i32
        %add3A_553 = arith.addi %mul3A_552, %scan3A_549 : i32
        %dma_start3A_554 = arith.constant 0 : i32
        %dma_start3A_555 = tpu.memref_slice %arg9[%add3A_553, %dma_start3A_554] : memref<192x128xi32, #tpu.memory_space<vmem>> -> memref<1x128xi32, #tpu.memory_space<vmem>>
        %dma_start3A_556 = tpu.memref_squeeze %dma_start3A_555 : memref<1x128xi32, #tpu.memory_space<vmem>> -> memref<128xi32, #tpu.memory_space<vmem>>
        %dma_start3A_557 = arith.constant 0 : i32
        %dma_start3A_558 = tpu.memref_slice %arg12[%dma_start3A_557] : memref<131072xf32, #tpu.memory_space<vmem_shared>> -> memref<131072xf32, #tpu.memory_space<vmem_shared>>
        tpu.enqueue_indirect_dma source(%arg10 : memref<128xf32, #tpu.memory_space<vmem>>) target(%dma_start3A_558 : memref<131072xf32, #tpu.memory_space<vmem_shared>>) offsets(%dma_start3A_556 : memref<128xi32, #tpu.memory_space<vmem>>) semaphore(%arg14 : memref<!tpu.dma_semaphore, #tpu.memory_space<semaphore_mem>>) {add = true}
        %scan3A_559 = arith.constant 0 : i32
        scf.yield %scan3A_559 : i32
      }
      %scan3A_547 = arith.constant 64 : i32
      %scan3A_548 = arith.constant 0 : i32
      scf.yield %scan3A_548 : i32
    }
    %scan3A_493 = arith.constant 16 : i32
    %dma_wait3A = arith.constant 0 : i32
    %dma_wait3A_494 = tpu.memref_slice %arg2[%dma_wait3A] : memref<4194304xf32, #tpu.memory_space<hbm>> -> memref<8192xf32, #tpu.memory_space<hbm>>
    %dma_wait3A_495 = arith.constant 0 : i32
    %dma_wait3A_496 = tpu.memref_slice %arg2[%dma_wait3A_495] : memref<4194304xf32, #tpu.memory_space<hbm>> -> memref<8192xf32, #tpu.memory_space<hbm>>
    tpu.wait_dma2 semaphore(%arg14 : memref<!tpu.dma_semaphore, #tpu.memory_space<semaphore_mem>>) src(%dma_wait3A_496 : memref<8192xf32, #tpu.memory_space<hbm>>) dst(%arg8 : memref<8192xf32, #tpu.memory_space<vmem>>)
    %barrier3A_497 = arith.constant 0 : index
    tpu.barrier barrier_id(%barrier3A_497)
    %mul3A_498 = arith.constant 2 : i32
    %mul3A_499 = arith.muli %arg1, %mul3A_498 : i32
    %mul3A_500 = arith.constant 4096 : i32
    %mul3A_501 = arith.muli %mul3A_499, %mul3A_500 : i32
    %mul3A_502 = arith.constant 2 : i32
    %mul3A_503 = arith.muli %arg0, %mul3A_502 : i32
    %mul3A_504 = arith.constant 65536 : i32
    %mul3A_505 = arith.muli %mul3A_503, %mul3A_504 : i32
    %mul3A_506 = arith.constant 2 : i32
    %mul3A_507 = arith.muli %arg1, %mul3A_506 : i32
    %mul3A_508 = arith.constant 4096 : i32
    %mul3A_509 = arith.muli %mul3A_507, %mul3A_508 : i32
    %add3A_510 = arith.addi %mul3A_505, %mul3A_509 : i32
    "tpu.region"() ({
      %run_scoped3A = tpu.sem_alloc : memref<!tpu.dma_semaphore, #tpu.memory_space<semaphore_mem>>
      %dma_start3A_511 = tpu.memref_slice %arg5[%add3A_510] : memref<262144xf32, #tpu.memory_space<hbm>> -> memref<8192xf32, #tpu.memory_space<hbm>>
      %dma_start3A_512 = tpu.memref_slice %arg12[%mul3A_501] : memref<131072xf32, #tpu.memory_space<vmem_shared>> -> memref<8192xf32, #tpu.memory_space<vmem_shared>>
      tpu.enqueue_dma source(%dma_start3A_512 : memref<8192xf32, #tpu.memory_space<vmem_shared>>) target(%dma_start3A_511 : memref<8192xf32, #tpu.memory_space<hbm>>) target_semaphore(%run_scoped3A : memref<!tpu.dma_semaphore, #tpu.memory_space<semaphore_mem>>)
      %dma_wait3A_513 = tpu.memref_slice %arg5[%add3A_510] : memref<262144xf32, #tpu.memory_space<hbm>> -> memref<8192xf32, #tpu.memory_space<hbm>>
      %dma_wait3A_514 = tpu.memref_slice %arg12[%mul3A_501] : memref<131072xf32, #tpu.memory_space<vmem_shared>> -> memref<8192xf32, #tpu.memory_space<vmem_shared>>
      tpu.wait_dma2 semaphore(%run_scoped3A : memref<!tpu.dma_semaphore, #tpu.memory_space<semaphore_mem>>) src(%dma_wait3A_514 : memref<8192xf32, #tpu.memory_space<vmem_shared>>) dst(%dma_wait3A_513 : memref<8192xf32, #tpu.memory_space<hbm>>)
      tpu.yield
    }) : () -> ()
    return
  }
}

#map = affine_map<(d0, d1) -> (0)>
#map1 = affine_map<(d0, d1) -> (0, 0)>
module attributes {stable_mosaic.version = 14 : i64} {
  func.func @_minmax_body(%arg0: i32, %arg1: i32, %arg2: memref<4194304xf32, #tpu.memory_space<hbm>>, %arg3: memref<4194304xf32, #tpu.memory_space<hbm>>, %arg4: memref<64x16xf32, #tpu.memory_space<hbm>>, %arg5: memref<32768xf32, #tpu.memory_space<vmem>>, %arg6: memref<32768xf32, #tpu.memory_space<vmem>>, %arg7: memref<2x16xf32, #tpu.memory_space<vmem>>, %arg8: memref<!tpu.dma_semaphore, #tpu.memory_space<semaphore_mem>>) attributes {dimension_semantics = [#tpu.dimension_semantics<core_parallel>, #tpu.dimension_semantics<subcore_parallel>], iteration_bounds = array<i64: 2, 16>, scalar_prefetch = 0 : i64, scratch_operands = 4 : i64, tpu.core_type = #tpu.core_type<sc_vector_subcore>, window_params = [{transform_indices = #map}, {transform_indices = #map}, {transform_indices = #map1}]} {
    %mul3A = arith.constant 16 : i32
    %mul3A_0 = arith.muli %arg0, %mul3A : i32
    %add3A = arith.addi %mul3A_0, %arg1 : i32
    %mul3A_1 = arith.constant 131072 : i32
    %mul3A_2 = arith.muli %add3A, %mul3A_1 : i32
    %dma_start3A = arith.constant 0 : i32
    %dma_start3A_3 = tpu.memref_slice %arg5[%dma_start3A] : memref<32768xf32, #tpu.memory_space<vmem>> -> memref<16384xf32, #tpu.memory_space<vmem>>
    %dma_start3A_4 = tpu.memref_slice %arg2[%mul3A_2] : memref<4194304xf32, #tpu.memory_space<hbm>> -> memref<16384xf32, #tpu.memory_space<hbm>>
    %dma_start3A_5 = arith.constant 0 : i32
    %dma_start3A_6 = tpu.memref_slice %arg5[%dma_start3A_5] : memref<32768xf32, #tpu.memory_space<vmem>> -> memref<16384xf32, #tpu.memory_space<vmem>>
    %dma_start3A_7 = tpu.memref_slice %arg2[%mul3A_2] : memref<4194304xf32, #tpu.memory_space<hbm>> -> memref<16384xf32, #tpu.memory_space<hbm>>
    tpu.enqueue_dma source(%dma_start3A_7 : memref<16384xf32, #tpu.memory_space<hbm>>) target(%dma_start3A_6 : memref<16384xf32, #tpu.memory_space<vmem>>) target_semaphore(%arg8 : memref<!tpu.dma_semaphore, #tpu.memory_space<semaphore_mem>>)
    %dma_start3A_8 = arith.constant 0 : i32
    %dma_start3A_9 = tpu.memref_slice %arg6[%dma_start3A_8] : memref<32768xf32, #tpu.memory_space<vmem>> -> memref<16384xf32, #tpu.memory_space<vmem>>
    %dma_start3A_10 = tpu.memref_slice %arg3[%mul3A_2] : memref<4194304xf32, #tpu.memory_space<hbm>> -> memref<16384xf32, #tpu.memory_space<hbm>>
    %dma_start3A_11 = arith.constant 0 : i32
    %dma_start3A_12 = tpu.memref_slice %arg6[%dma_start3A_11] : memref<32768xf32, #tpu.memory_space<vmem>> -> memref<16384xf32, #tpu.memory_space<vmem>>
    %dma_start3A_13 = tpu.memref_slice %arg3[%mul3A_2] : memref<4194304xf32, #tpu.memory_space<hbm>> -> memref<16384xf32, #tpu.memory_space<hbm>>
    tpu.enqueue_dma source(%dma_start3A_13 : memref<16384xf32, #tpu.memory_space<hbm>>) target(%dma_start3A_12 : memref<16384xf32, #tpu.memory_space<vmem>>) target_semaphore(%arg8 : memref<!tpu.dma_semaphore, #tpu.memory_space<semaphore_mem>>)
    %broadcast_in_dim3A = arith.constant 3.000000e+38 : f32
    %broadcast_in_dim3A_14 = vector.broadcast %broadcast_in_dim3A : f32 to vector<16xf32>
    %neg3A = arith.constant 0.000000e+00 : f32
    %neg3A_15 = vector.broadcast %neg3A : f32 to vector<16xf32>
    %neg3A_16 = arith.subf %neg3A_15, %broadcast_in_dim3A_14 : vector<16xf32>
    %scan3A = arith.constant 0 : i32
    %scan3A_17 = arith.constant 8 : i32
    %scan3A_18 = arith.addi %scan3A, %scan3A_17 : i32
    %scan3A_19 = arith.constant 1 : i32
    %scan3A_20:2 = scf.for %scan3A_35 = %scan3A to %scan3A_18 step %scan3A_19 iter_args(%scan3A_36 = %broadcast_in_dim3A_14, %scan3A_37 = %neg3A_16) -> (vector<16xf32>, vector<16xf32>)  : i32 {
      %rem3A = arith.constant 2 : i32
      %rem3A_38 = arith.remsi %scan3A_35, %rem3A : i32
      %mul3A_39 = arith.constant 16384 : i32
      %mul3A_40 = arith.muli %rem3A_38, %mul3A_39 : i32
      %dma_wait3A = tpu.memref_slice %arg5[%mul3A_40] : memref<32768xf32, #tpu.memory_space<vmem>> -> memref<16384xf32, #tpu.memory_space<vmem>>
      %dma_wait3A_41 = arith.constant 0 : i32
      %dma_wait3A_42 = tpu.memref_slice %arg2[%dma_wait3A_41] : memref<4194304xf32, #tpu.memory_space<hbm>> -> memref<16384xf32, #tpu.memory_space<hbm>>
      %dma_wait3A_43 = tpu.memref_slice %arg5[%mul3A_40] : memref<32768xf32, #tpu.memory_space<vmem>> -> memref<16384xf32, #tpu.memory_space<vmem>>
      %dma_wait3A_44 = arith.constant 0 : i32
      %dma_wait3A_45 = tpu.memref_slice %arg2[%dma_wait3A_44] : memref<4194304xf32, #tpu.memory_space<hbm>> -> memref<16384xf32, #tpu.memory_space<hbm>>
      tpu.wait_dma2 semaphore(%arg8 : memref<!tpu.dma_semaphore, #tpu.memory_space<semaphore_mem>>) src(%dma_wait3A_45 : memref<16384xf32, #tpu.memory_space<hbm>>) dst(%dma_wait3A_43 : memref<16384xf32, #tpu.memory_space<vmem>>)
      %dma_wait3A_46 = tpu.memref_slice %arg6[%mul3A_40] : memref<32768xf32, #tpu.memory_space<vmem>> -> memref<16384xf32, #tpu.memory_space<vmem>>
      %dma_wait3A_47 = arith.constant 0 : i32
      %dma_wait3A_48 = tpu.memref_slice %arg2[%dma_wait3A_47] : memref<4194304xf32, #tpu.memory_space<hbm>> -> memref<16384xf32, #tpu.memory_space<hbm>>
      %dma_wait3A_49 = tpu.memref_slice %arg6[%mul3A_40] : memref<32768xf32, #tpu.memory_space<vmem>> -> memref<16384xf32, #tpu.memory_space<vmem>>
      %dma_wait3A_50 = arith.constant 0 : i32
      %dma_wait3A_51 = tpu.memref_slice %arg2[%dma_wait3A_50] : memref<4194304xf32, #tpu.memory_space<hbm>> -> memref<16384xf32, #tpu.memory_space<hbm>>
      tpu.wait_dma2 semaphore(%arg8 : memref<!tpu.dma_semaphore, #tpu.memory_space<semaphore_mem>>) src(%dma_wait3A_51 : memref<16384xf32, #tpu.memory_space<hbm>>) dst(%dma_wait3A_49 : memref<16384xf32, #tpu.memory_space<vmem>>)
      %lt3A = arith.constant 7 : i32
      %lt3A_52 = arith.cmpi slt, %scan3A_35, %lt3A : i32
      %convert_element_type3A = arith.extui %lt3A_52 : i1 to i32
      %cond3A = arith.constant 0 : i32
      %cond3A_53 = arith.cmpi ne, %convert_element_type3A, %cond3A : i32
      scf.if %cond3A_53 {
        %add3A_60 = arith.constant 1 : i32
        %add3A_61 = arith.addi %scan3A_35, %add3A_60 : i32
        %rem3A_62 = arith.constant 2 : i32
        %rem3A_63 = arith.remsi %add3A_61, %rem3A_62 : i32
        %add3A_64 = arith.constant 1 : i32
        %add3A_65 = arith.addi %scan3A_35, %add3A_64 : i32
        %mul3A_66 = arith.constant 16384 : i32
        %mul3A_67 = arith.muli %add3A_65, %mul3A_66 : i32
        %add3A_68 = arith.addi %mul3A_2, %mul3A_67 : i32
        %mul3A_69 = arith.constant 16384 : i32
        %mul3A_70 = arith.muli %rem3A_63, %mul3A_69 : i32
        %dma_start3A_71 = tpu.memref_slice %arg5[%mul3A_70] : memref<32768xf32, #tpu.memory_space<vmem>> -> memref<16384xf32, #tpu.memory_space<vmem>>
        %dma_start3A_72 = tpu.memref_slice %arg2[%add3A_68] : memref<4194304xf32, #tpu.memory_space<hbm>> -> memref<16384xf32, #tpu.memory_space<hbm>>
        %dma_start3A_73 = tpu.memref_slice %arg5[%mul3A_70] : memref<32768xf32, #tpu.memory_space<vmem>> -> memref<16384xf32, #tpu.memory_space<vmem>>
        %dma_start3A_74 = tpu.memref_slice %arg2[%add3A_68] : memref<4194304xf32, #tpu.memory_space<hbm>> -> memref<16384xf32, #tpu.memory_space<hbm>>
        tpu.enqueue_dma source(%dma_start3A_74 : memref<16384xf32, #tpu.memory_space<hbm>>) target(%dma_start3A_73 : memref<16384xf32, #tpu.memory_space<vmem>>) target_semaphore(%arg8 : memref<!tpu.dma_semaphore, #tpu.memory_space<semaphore_mem>>)
        %mul3A_75 = arith.constant 16384 : i32
        %mul3A_76 = arith.muli %rem3A_63, %mul3A_75 : i32
        %dma_start3A_77 = tpu.memref_slice %arg6[%mul3A_76] : memref<32768xf32, #tpu.memory_space<vmem>> -> memref<16384xf32, #tpu.memory_space<vmem>>
        %dma_start3A_78 = tpu.memref_slice %arg3[%add3A_68] : memref<4194304xf32, #tpu.memory_space<hbm>> -> memref<16384xf32, #tpu.memory_space<hbm>>
        %dma_start3A_79 = tpu.memref_slice %arg6[%mul3A_76] : memref<32768xf32, #tpu.memory_space<vmem>> -> memref<16384xf32, #tpu.memory_space<vmem>>
        %dma_start3A_80 = tpu.memref_slice %arg3[%add3A_68] : memref<4194304xf32, #tpu.memory_space<hbm>> -> memref<16384xf32, #tpu.memory_space<hbm>>
        tpu.enqueue_dma source(%dma_start3A_80 : memref<16384xf32, #tpu.memory_space<hbm>>) target(%dma_start3A_79 : memref<16384xf32, #tpu.memory_space<vmem>>) target_semaphore(%arg8 : memref<!tpu.dma_semaphore, #tpu.memory_space<semaphore_mem>>)
      } else {
      }
      %scan3A_54 = arith.constant 0 : i32
      %scan3A_55 = arith.constant 128 : i32
      %scan3A_56 = arith.addi %scan3A_54, %scan3A_55 : i32
      %scan3A_57 = arith.constant 1 : i32
      %scan3A_58:2 = scf.for %scan3A_60 = %scan3A_54 to %scan3A_56 step %scan3A_57 iter_args(%scan3A_61 = %scan3A_36, %scan3A_62 = %scan3A_37) -> (vector<16xf32>, vector<16xf32>)  : i32 {
        %mul3A_63 = arith.constant 128 : i32
        %mul3A_64 = arith.muli %scan3A_60, %mul3A_63 : i32
        %add3A_65 = arith.addi %mul3A_40, %mul3A_64 : i32
        %add3A_66 = arith.constant 0 : i32
        %add3A_67 = arith.addi %add3A_65, %add3A_66 : i32
        %get3A = arith.index_cast %add3A_67 : i32 to index
        %get3A_68 = tpu.vector_load %arg5[%get3A] {strides = array<i32>} : memref<32768xf32, #tpu.memory_space<vmem>>, vector<16xf32>,
        %get3A_69 = vector.shape_cast %get3A_68 : vector<16xf32> to vector<16xf32>
        %get3A_70 = arith.index_cast %add3A_67 : i32 to index
        %get3A_71 = tpu.vector_load %arg6[%get3A_70] {strides = array<i32>} : memref<32768xf32, #tpu.memory_space<vmem>>, vector<16xf32>,
        %get3A_72 = vector.shape_cast %get3A_71 : vector<16xf32> to vector<16xf32>
        %mul3A_73 = arith.constant 2.000000e+00 : f32
        %mul3A_74 = vector.broadcast %mul3A_73 : f32 to vector<16xf32>
        %mul3A_75 = arith.mulf %mul3A_74, %get3A_72 : vector<16xf32>
        %sub3A = arith.constant 1.000000e+00 : f32
        %sub3A_76 = vector.broadcast %sub3A : f32 to vector<16xf32>
        %sub3A_77 = arith.subf %mul3A_75, %sub3A_76 : vector<16xf32>
        %mul3A_78 = arith.mulf %get3A_69, %sub3A_77 : vector<16xf32>
        %sub3A_79 = arith.constant 1.000000e+00 : f32
        %sub3A_80 = vector.broadcast %sub3A_79 : f32 to vector<16xf32>
        %sub3A_81 = arith.subf %sub3A_80, %mul3A_78 : vector<16xf32>
        %min3A = arith.minimumf %scan3A_61, %sub3A_81 : vector<16xf32>
        %max3A = arith.maximumf %scan3A_62, %sub3A_81 : vector<16xf32>
        %mul3A_82 = arith.constant 128 : i32
        %mul3A_83 = arith.muli %scan3A_60, %mul3A_82 : i32
        %add3A_84 = arith.addi %mul3A_40, %mul3A_83 : i32
        %add3A_85 = arith.constant 16 : i32
        %add3A_86 = arith.addi %add3A_84, %add3A_85 : i32
        %get3A_87 = arith.index_cast %add3A_86 : i32 to index
        %get3A_88 = tpu.vector_load %arg5[%get3A_87] {strides = array<i32>} : memref<32768xf32, #tpu.memory_space<vmem>>, vector<16xf32>,
        %get3A_89 = vector.shape_cast %get3A_88 : vector<16xf32> to vector<16xf32>
        %get3A_90 = arith.index_cast %add3A_86 : i32 to index
        %get3A_91 = tpu.vector_load %arg6[%get3A_90] {strides = array<i32>} : memref<32768xf32, #tpu.memory_space<vmem>>, vector<16xf32>,
        %get3A_92 = vector.shape_cast %get3A_91 : vector<16xf32> to vector<16xf32>
        %mul3A_93 = arith.constant 2.000000e+00 : f32
        %mul3A_94 = vector.broadcast %mul3A_93 : f32 to vector<16xf32>
        %mul3A_95 = arith.mulf %mul3A_94, %get3A_92 : vector<16xf32>
        %sub3A_96 = arith.constant 1.000000e+00 : f32
        %sub3A_97 = vector.broadcast %sub3A_96 : f32 to vector<16xf32>
        %sub3A_98 = arith.subf %mul3A_95, %sub3A_97 : vector<16xf32>
        %mul3A_99 = arith.mulf %get3A_89, %sub3A_98 : vector<16xf32>
        %sub3A_100 = arith.constant 1.000000e+00 : f32
        %sub3A_101 = vector.broadcast %sub3A_100 : f32 to vector<16xf32>
        %sub3A_102 = arith.subf %sub3A_101, %mul3A_99 : vector<16xf32>
        %min3A_103 = arith.minimumf %min3A, %sub3A_102 : vector<16xf32>
        %max3A_104 = arith.maximumf %max3A, %sub3A_102 : vector<16xf32>
        %mul3A_105 = arith.constant 128 : i32
        %mul3A_106 = arith.muli %scan3A_60, %mul3A_105 : i32
        %add3A_107 = arith.addi %mul3A_40, %mul3A_106 : i32
        %add3A_108 = arith.constant 32 : i32
        %add3A_109 = arith.addi %add3A_107, %add3A_108 : i32
        %get3A_110 = arith.index_cast %add3A_109 : i32 to index
        %get3A_111 = tpu.vector_load %arg5[%get3A_110] {strides = array<i32>} : memref<32768xf32, #tpu.memory_space<vmem>>, vector<16xf32>,
        %get3A_112 = vector.shape_cast %get3A_111 : vector<16xf32> to vector<16xf32>
        %get3A_113 = arith.index_cast %add3A_109 : i32 to index
        %get3A_114 = tpu.vector_load %arg6[%get3A_113] {strides = array<i32>} : memref<32768xf32, #tpu.memory_space<vmem>>, vector<16xf32>,
        %get3A_115 = vector.shape_cast %get3A_114 : vector<16xf32> to vector<16xf32>
        %mul3A_116 = arith.constant 2.000000e+00 : f32
        %mul3A_117 = vector.broadcast %mul3A_116 : f32 to vector<16xf32>
        %mul3A_118 = arith.mulf %mul3A_117, %get3A_115 : vector<16xf32>
        %sub3A_119 = arith.constant 1.000000e+00 : f32
        %sub3A_120 = vector.broadcast %sub3A_119 : f32 to vector<16xf32>
        %sub3A_121 = arith.subf %mul3A_118, %sub3A_120 : vector<16xf32>
        %mul3A_122 = arith.mulf %get3A_112, %sub3A_121 : vector<16xf32>
        %sub3A_123 = arith.constant 1.000000e+00 : f32
        %sub3A_124 = vector.broadcast %sub3A_123 : f32 to vector<16xf32>
        %sub3A_125 = arith.subf %sub3A_124, %mul3A_122 : vector<16xf32>
        %min3A_126 = arith.minimumf %min3A_103, %sub3A_125 : vector<16xf32>
        %max3A_127 = arith.maximumf %max3A_104, %sub3A_125 : vector<16xf32>
        %mul3A_128 = arith.constant 128 : i32
        %mul3A_129 = arith.muli %scan3A_60, %mul3A_128 : i32
        %add3A_130 = arith.addi %mul3A_40, %mul3A_129 : i32
        %add3A_131 = arith.constant 48 : i32
        %add3A_132 = arith.addi %add3A_130, %add3A_131 : i32
        %get3A_133 = arith.index_cast %add3A_132 : i32 to index
        %get3A_134 = tpu.vector_load %arg5[%get3A_133] {strides = array<i32>} : memref<32768xf32, #tpu.memory_space<vmem>>, vector<16xf32>,
        %get3A_135 = vector.shape_cast %get3A_134 : vector<16xf32> to vector<16xf32>
        %get3A_136 = arith.index_cast %add3A_132 : i32 to index
        %get3A_137 = tpu.vector_load %arg6[%get3A_136] {strides = array<i32>} : memref<32768xf32, #tpu.memory_space<vmem>>, vector<16xf32>,
        %get3A_138 = vector.shape_cast %get3A_137 : vector<16xf32> to vector<16xf32>
        %mul3A_139 = arith.constant 2.000000e+00 : f32
        %mul3A_140 = vector.broadcast %mul3A_139 : f32 to vector<16xf32>
        %mul3A_141 = arith.mulf %mul3A_140, %get3A_138 : vector<16xf32>
        %sub3A_142 = arith.constant 1.000000e+00 : f32
        %sub3A_143 = vector.broadcast %sub3A_142 : f32 to vector<16xf32>
        %sub3A_144 = arith.subf %mul3A_141, %sub3A_143 : vector<16xf32>
        %mul3A_145 = arith.mulf %get3A_135, %sub3A_144 : vector<16xf32>
        %sub3A_146 = arith.constant 1.000000e+00 : f32
        %sub3A_147 = vector.broadcast %sub3A_146 : f32 to vector<16xf32>
        %sub3A_148 = arith.subf %sub3A_147, %mul3A_145 : vector<16xf32>
        %min3A_149 = arith.minimumf %min3A_126, %sub3A_148 : vector<16xf32>
        %max3A_150 = arith.maximumf %max3A_127, %sub3A_148 : vector<16xf32>
        %mul3A_151 = arith.constant 128 : i32
        %mul3A_152 = arith.muli %scan3A_60, %mul3A_151 : i32
        %add3A_153 = arith.addi %mul3A_40, %mul3A_152 : i32
        %add3A_154 = arith.constant 64 : i32
        %add3A_155 = arith.addi %add3A_153, %add3A_154 : i32
        %get3A_156 = arith.index_cast %add3A_155 : i32 to index
        %get3A_157 = tpu.vector_load %arg5[%get3A_156] {strides = array<i32>} : memref<32768xf32, #tpu.memory_space<vmem>>, vector<16xf32>,
        %get3A_158 = vector.shape_cast %get3A_157 : vector<16xf32> to vector<16xf32>
        %get3A_159 = arith.index_cast %add3A_155 : i32 to index
        %get3A_160 = tpu.vector_load %arg6[%get3A_159] {strides = array<i32>} : memref<32768xf32, #tpu.memory_space<vmem>>, vector<16xf32>,
        %get3A_161 = vector.shape_cast %get3A_160 : vector<16xf32> to vector<16xf32>
        %mul3A_162 = arith.constant 2.000000e+00 : f32
        %mul3A_163 = vector.broadcast %mul3A_162 : f32 to vector<16xf32>
        %mul3A_164 = arith.mulf %mul3A_163, %get3A_161 : vector<16xf32>
        %sub3A_165 = arith.constant 1.000000e+00 : f32
        %sub3A_166 = vector.broadcast %sub3A_165 : f32 to vector<16xf32>
        %sub3A_167 = arith.subf %mul3A_164, %sub3A_166 : vector<16xf32>
        %mul3A_168 = arith.mulf %get3A_158, %sub3A_167 : vector<16xf32>
        %sub3A_169 = arith.constant 1.000000e+00 : f32
        %sub3A_170 = vector.broadcast %sub3A_169 : f32 to vector<16xf32>
        %sub3A_171 = arith.subf %sub3A_170, %mul3A_168 : vector<16xf32>
        %min3A_172 = arith.minimumf %min3A_149, %sub3A_171 : vector<16xf32>
        %max3A_173 = arith.maximumf %max3A_150, %sub3A_171 : vector<16xf32>
        %mul3A_174 = arith.constant 128 : i32
        %mul3A_175 = arith.muli %scan3A_60, %mul3A_174 : i32
        %add3A_176 = arith.addi %mul3A_40, %mul3A_175 : i32
        %add3A_177 = arith.constant 80 : i32
        %add3A_178 = arith.addi %add3A_176, %add3A_177 : i32
        %get3A_179 = arith.index_cast %add3A_178 : i32 to index
        %get3A_180 = tpu.vector_load %arg5[%get3A_179] {strides = array<i32>} : memref<32768xf32, #tpu.memory_space<vmem>>, vector<16xf32>,
        %get3A_181 = vector.shape_cast %get3A_180 : vector<16xf32> to vector<16xf32>
        %get3A_182 = arith.index_cast %add3A_178 : i32 to index
        %get3A_183 = tpu.vector_load %arg6[%get3A_182] {strides = array<i32>} : memref<32768xf32, #tpu.memory_space<vmem>>, vector<16xf32>,
        %get3A_184 = vector.shape_cast %get3A_183 : vector<16xf32> to vector<16xf32>
        %mul3A_185 = arith.constant 2.000000e+00 : f32
        %mul3A_186 = vector.broadcast %mul3A_185 : f32 to vector<16xf32>
        %mul3A_187 = arith.mulf %mul3A_186, %get3A_184 : vector<16xf32>
        %sub3A_188 = arith.constant 1.000000e+00 : f32
        %sub3A_189 = vector.broadcast %sub3A_188 : f32 to vector<16xf32>
        %sub3A_190 = arith.subf %mul3A_187, %sub3A_189 : vector<16xf32>
        %mul3A_191 = arith.mulf %get3A_181, %sub3A_190 : vector<16xf32>
        %sub3A_192 = arith.constant 1.000000e+00 : f32
        %sub3A_193 = vector.broadcast %sub3A_192 : f32 to vector<16xf32>
        %sub3A_194 = arith.subf %sub3A_193, %mul3A_191 : vector<16xf32>
        %min3A_195 = arith.minimumf %min3A_172, %sub3A_194 : vector<16xf32>
        %max3A_196 = arith.maximumf %max3A_173, %sub3A_194 : vector<16xf32>
        %mul3A_197 = arith.constant 128 : i32
        %mul3A_198 = arith.muli %scan3A_60, %mul3A_197 : i32
        %add3A_199 = arith.addi %mul3A_40, %mul3A_198 : i32
        %add3A_200 = arith.constant 96 : i32
        %add3A_201 = arith.addi %add3A_199, %add3A_200 : i32
        %get3A_202 = arith.index_cast %add3A_201 : i32 to index
        %get3A_203 = tpu.vector_load %arg5[%get3A_202] {strides = array<i32>} : memref<32768xf32, #tpu.memory_space<vmem>>, vector<16xf32>,
        %get3A_204 = vector.shape_cast %get3A_203 : vector<16xf32> to vector<16xf32>
        %get3A_205 = arith.index_cast %add3A_201 : i32 to index
        %get3A_206 = tpu.vector_load %arg6[%get3A_205] {strides = array<i32>} : memref<32768xf32, #tpu.memory_space<vmem>>, vector<16xf32>,
        %get3A_207 = vector.shape_cast %get3A_206 : vector<16xf32> to vector<16xf32>
        %mul3A_208 = arith.constant 2.000000e+00 : f32
        %mul3A_209 = vector.broadcast %mul3A_208 : f32 to vector<16xf32>
        %mul3A_210 = arith.mulf %mul3A_209, %get3A_207 : vector<16xf32>
        %sub3A_211 = arith.constant 1.000000e+00 : f32
        %sub3A_212 = vector.broadcast %sub3A_211 : f32 to vector<16xf32>
        %sub3A_213 = arith.subf %mul3A_210, %sub3A_212 : vector<16xf32>
        %mul3A_214 = arith.mulf %get3A_204, %sub3A_213 : vector<16xf32>
        %sub3A_215 = arith.constant 1.000000e+00 : f32
        %sub3A_216 = vector.broadcast %sub3A_215 : f32 to vector<16xf32>
        %sub3A_217 = arith.subf %sub3A_216, %mul3A_214 : vector<16xf32>
        %min3A_218 = arith.minimumf %min3A_195, %sub3A_217 : vector<16xf32>
        %max3A_219 = arith.maximumf %max3A_196, %sub3A_217 : vector<16xf32>
        %mul3A_220 = arith.constant 128 : i32
        %mul3A_221 = arith.muli %scan3A_60, %mul3A_220 : i32
        %add3A_222 = arith.addi %mul3A_40, %mul3A_221 : i32
        %add3A_223 = arith.constant 112 : i32
        %add3A_224 = arith.addi %add3A_222, %add3A_223 : i32
        %get3A_225 = arith.index_cast %add3A_224 : i32 to index
        %get3A_226 = tpu.vector_load %arg5[%get3A_225] {strides = array<i32>} : memref<32768xf32, #tpu.memory_space<vmem>>, vector<16xf32>,
        %get3A_227 = vector.shape_cast %get3A_226 : vector<16xf32> to vector<16xf32>
        %get3A_228 = arith.index_cast %add3A_224 : i32 to index
        %get3A_229 = tpu.vector_load %arg6[%get3A_228] {strides = array<i32>} : memref<32768xf32, #tpu.memory_space<vmem>>, vector<16xf32>,
        %get3A_230 = vector.shape_cast %get3A_229 : vector<16xf32> to vector<16xf32>
        %mul3A_231 = arith.constant 2.000000e+00 : f32
        %mul3A_232 = vector.broadcast %mul3A_231 : f32 to vector<16xf32>
        %mul3A_233 = arith.mulf %mul3A_232, %get3A_230 : vector<16xf32>
        %sub3A_234 = arith.constant 1.000000e+00 : f32
        %sub3A_235 = vector.broadcast %sub3A_234 : f32 to vector<16xf32>
        %sub3A_236 = arith.subf %mul3A_233, %sub3A_235 : vector<16xf32>
        %mul3A_237 = arith.mulf %get3A_227, %sub3A_236 : vector<16xf32>
        %sub3A_238 = arith.constant 1.000000e+00 : f32
        %sub3A_239 = vector.broadcast %sub3A_238 : f32 to vector<16xf32>
        %sub3A_240 = arith.subf %sub3A_239, %mul3A_237 : vector<16xf32>
        %min3A_241 = arith.minimumf %min3A_218, %sub3A_240 : vector<16xf32>
        %max3A_242 = arith.maximumf %max3A_219, %sub3A_240 : vector<16xf32>
        scf.yield %min3A_241, %max3A_242 : vector<16xf32>, vector<16xf32>
      }
      %scan3A_59 = arith.constant 128 : i32
      scf.yield %scan3A_58#0, %scan3A_58#1 : vector<16xf32>, vector<16xf32>
    }
    %scan3A_21 = arith.constant 8 : i32
    %swap3A = arith.constant 0 : i32
    %swap3A_22 = arith.index_cast %swap3A : i32 to index
    %swap3A_23 = arith.constant 0 : index
    %swap3A_24 = tpu.vector_load %arg7[%swap3A_22, %swap3A_23] {strides = array<i32>} : memref<2x16xf32, #tpu.memory_space<vmem>>, vector<1x16xf32>,
    %swap3A_25 = vector.shape_cast %swap3A_24 : vector<1x16xf32> to vector<16xf32>
    %swap3A_26 = vector.shape_cast %scan3A_20#0 : vector<16xf32> to vector<1x16xf32>
    tpu.vector_store %arg7[%swap3A_22, %swap3A_23], %swap3A_26 {strides = array<i32>} : memref<2x16xf32, #tpu.memory_space<vmem>>, vector<1x16xf32>,
    %swap3A_27 = arith.constant 1 : i32
    %swap3A_28 = arith.index_cast %swap3A_27 : i32 to index
    %swap3A_29 = arith.constant 0 : index
    %swap3A_30 = tpu.vector_load %arg7[%swap3A_28, %swap3A_29] {strides = array<i32>} : memref<2x16xf32, #tpu.memory_space<vmem>>, vector<1x16xf32>,
    %swap3A_31 = vector.shape_cast %swap3A_30 : vector<1x16xf32> to vector<16xf32>
    %swap3A_32 = vector.shape_cast %scan3A_20#1 : vector<16xf32> to vector<1x16xf32>
    tpu.vector_store %arg7[%swap3A_28, %swap3A_29], %swap3A_32 {strides = array<i32>} : memref<2x16xf32, #tpu.memory_space<vmem>>, vector<1x16xf32>,
    %mul3A_33 = arith.constant 2 : i32
    %mul3A_34 = arith.muli %mul3A_33, %add3A : i32
    "tpu.region"() ({
      %run_scoped3A = tpu.sem_alloc : memref<!tpu.dma_semaphore, #tpu.memory_space<semaphore_mem>>
      %dma_start3A_35 = arith.constant 0 : i32
      %dma_start3A_36 = tpu.memref_slice %arg4[%mul3A_34, %dma_start3A_35] : memref<64x16xf32, #tpu.memory_space<hbm>> -> memref<2x16xf32, #tpu.memory_space<hbm>>
      %dma_start3A_37 = arith.constant 0 : i32
      %dma_start3A_38 = tpu.memref_slice %arg4[%mul3A_34, %dma_start3A_37] : memref<64x16xf32, #tpu.memory_space<hbm>> -> memref<2x16xf32, #tpu.memory_space<hbm>>
      tpu.enqueue_dma source(%arg7 : memref<2x16xf32, #tpu.memory_space<vmem>>) target(%dma_start3A_38 : memref<2x16xf32, #tpu.memory_space<hbm>>) target_semaphore(%run_scoped3A : memref<!tpu.dma_semaphore, #tpu.memory_space<semaphore_mem>>)
      %dma_wait3A = arith.constant 0 : i32
      %dma_wait3A_39 = tpu.memref_slice %arg4[%mul3A_34, %dma_wait3A] : memref<64x16xf32, #tpu.memory_space<hbm>> -> memref<2x16xf32, #tpu.memory_space<hbm>>
      %dma_wait3A_40 = arith.constant 0 : i32
      %dma_wait3A_41 = tpu.memref_slice %arg4[%mul3A_34, %dma_wait3A_40] : memref<64x16xf32, #tpu.memory_space<hbm>> -> memref<2x16xf32, #tpu.memory_space<hbm>>
      tpu.wait_dma2 semaphore(%run_scoped3A : memref<!tpu.dma_semaphore, #tpu.memory_space<semaphore_mem>>) src(%arg7 : memref<2x16xf32, #tpu.memory_space<vmem>>) dst(%dma_wait3A_41 : memref<2x16xf32, #tpu.memory_space<hbm>>)
      tpu.yield
    }) : () -> ()
    return
  }
}

module attributes {stable_mosaic.version = 14 : i64} {
  func.func @_finish_body(%arg0: memref<32x32xf32, #tpu.memory_space<vmem>>, %arg1: memref<2x2x256x256xf32, #tpu.memory_space<vmem>>, %arg2: memref<1x1xf32, #tpu.memory_space<vmem>>) attributes {dimension_semantics = [], scalar_prefetch = 0 : i64, scratch_operands = 0 : i64, tpu.core_type = #tpu.core_type<tc>} {
    %get3A = arith.constant 0 : index
    %get3A_0 = arith.constant 0 : index
    %get3A_1 = arith.constant 0 : index
    %get3A_2 = arith.constant 0 : index
    %get3A_3 = vector.load %arg1[%get3A, %get3A_0, %get3A_1, %get3A_2] : memref<2x2x256x256xf32, #tpu.memory_space<vmem>>, vector<1x1x256x256xf32>
    %get3A_4 = vector.shape_cast %get3A_3 : vector<1x1x256x256xf32> to vector<256x256xf32>
    %get3A_5 = arith.constant 1 : index
    %get3A_6 = arith.constant 0 : index
    %get3A_7 = arith.constant 0 : index
    %get3A_8 = arith.constant 0 : index
    %get3A_9 = vector.load %arg1[%get3A_5, %get3A_6, %get3A_7, %get3A_8] : memref<2x2x256x256xf32, #tpu.memory_space<vmem>>, vector<1x1x256x256xf32>
    %get3A_10 = vector.shape_cast %get3A_9 : vector<1x1x256x256xf32> to vector<256x256xf32>
    %add3A = arith.addf %get3A_4, %get3A_10 : vector<256x256xf32>
    %get3A_11 = arith.constant 0 : index
    %get3A_12 = arith.constant 1 : index
    %get3A_13 = arith.constant 0 : index
    %get3A_14 = arith.constant 0 : index
    %get3A_15 = vector.load %arg1[%get3A_11, %get3A_12, %get3A_13, %get3A_14] : memref<2x2x256x256xf32, #tpu.memory_space<vmem>>, vector<1x1x256x256xf32>
    %get3A_16 = vector.shape_cast %get3A_15 : vector<1x1x256x256xf32> to vector<256x256xf32>
    %get3A_17 = arith.constant 1 : index
    %get3A_18 = arith.constant 1 : index
    %get3A_19 = arith.constant 0 : index
    %get3A_20 = arith.constant 0 : index
    %get3A_21 = vector.load %arg1[%get3A_17, %get3A_18, %get3A_19, %get3A_20] : memref<2x2x256x256xf32, #tpu.memory_space<vmem>>, vector<1x1x256x256xf32>
    %get3A_22 = vector.shape_cast %get3A_21 : vector<1x1x256x256xf32> to vector<256x256xf32>
    %add3A_23 = arith.addf %get3A_16, %get3A_22 : vector<256x256xf32>
    %get3A_24 = arith.constant 0 : index
    %get3A_25 = arith.constant 0 : index
    %get3A_26 = vector.load %arg0[%get3A_24, %get3A_25] : memref<32x32xf32, #tpu.memory_space<vmem>>, vector<32x16xf32>
    %reduce_min3A = vector.shape_cast %get3A_26 : vector<32x16xf32> to vector<1x32x16xf32>
    %reduce_min3A_27 = arith.constant dense<0x7F800000> : vector<1xf32>
    %reduce_min3A_28 = vector.multi_reduction <minimumf>, %reduce_min3A, %reduce_min3A_27 [1, 2] : vector<1x32x16xf32> to vector<1xf32>
    %reduce_min3A_29 = vector.shape_cast %reduce_min3A_28 : vector<1xf32> to vector<1x1x1xf32>
    %reduce_min3A_30 = vector.extract %reduce_min3A_29[0, 0, 0] : f32 from vector<1x1x1xf32>
    %get3A_31 = arith.constant 0 : index
    %get3A_32 = arith.constant 16 : index
    %get3A_33 = vector.load %arg0[%get3A_31, %get3A_32] : memref<32x32xf32, #tpu.memory_space<vmem>>, vector<32x16xf32>
    %reduce_max3A = vector.shape_cast %get3A_33 : vector<32x16xf32> to vector<1x32x16xf32>
    %reduce_max3A_34 = arith.constant dense<0xFF800000> : vector<1xf32>
    %reduce_max3A_35 = vector.multi_reduction <maximumf>, %reduce_max3A, %reduce_max3A_34 [1, 2] : vector<1x32x16xf32> to vector<1xf32>
    %reduce_max3A_36 = vector.shape_cast %reduce_max3A_35 : vector<1xf32> to vector<1x1x1xf32>
    %reduce_max3A_37 = vector.extract %reduce_max3A_36[0, 0, 0] : f32 from vector<1x1x1xf32>
    %iota3A = tpu.iota {dimensions = array<i32: 0>} : vector<256x256xi32>
    %iota3A_38 = tpu.iota {dimensions = array<i32: 1>} : vector<256x256xi32>
    %le3A = arith.cmpi sle, %iota3A, %iota3A_38 : vector<256x256xi32>
    %convert_element_type3A = arith.extui %le3A : vector<256x256xi1> to vector<256x256xi32>
    %convert_element_type3A_39 = arith.sitofp %convert_element_type3A : vector<256x256xi32> to vector<256x256xf32>
    %lt3A = arith.cmpi slt, %iota3A_38, %iota3A : vector<256x256xi32>
    %convert_element_type3A_40 = arith.extui %lt3A : vector<256x256xi1> to vector<256x256xi32>
    %convert_element_type3A_41 = arith.sitofp %convert_element_type3A_40 : vector<256x256xi32> to vector<256x256xf32>
    %dot_general3A = arith.constant dense<0.000000e+00> : vector<256x256xf32>
    %dot_general3A_42 = tpu.matmul %add3A_23, %convert_element_type3A_39, %dot_general3A {dimension_numbers = #tpu.dot_dimension_numbers<[1], [0], [0], [1], [0, 0, 1, 1], [], []>, precision = #tpu.contract_precision<fp32>, transpose_lhs_hint = false} : vector<256x256xf32>, vector<256x256xf32>, vector<256x256xf32> -> vector<256x256xf32>
    %dot_general3A_43 = arith.constant dense<0.000000e+00> : vector<256x256xf32>
    %dot_general3A_44 = tpu.matmul %add3A, %convert_element_type3A_39, %dot_general3A_43 {dimension_numbers = #tpu.dot_dimension_numbers<[1], [0], [0], [1], [0, 0, 1, 1], [], []>, precision = #tpu.contract_precision<fp32>, transpose_lhs_hint = false} : vector<256x256xf32>, vector<256x256xf32>, vector<256x256xf32> -> vector<256x256xf32>
    %reduce_sum3A = arith.constant dense<0.000000e+00> : vector<256xf32>
    %reduce_sum3A_45 = vector.multi_reduction <add>, %add3A_23, %reduce_sum3A [1] : vector<256x256xf32> to vector<256xf32>
    %broadcast_in_dim3A = vector.shape_cast %reduce_sum3A_45 : vector<256xf32> to vector<256x1xf32>
    %reduce_sum3A_46 = arith.constant dense<0.000000e+00> : vector<256xf32>
    %reduce_sum3A_47 = vector.multi_reduction <add>, %add3A, %reduce_sum3A_46 [1] : vector<256x256xf32> to vector<256xf32>
    %broadcast_in_dim3A_48 = vector.shape_cast %reduce_sum3A_47 : vector<256xf32> to vector<256x1xf32>
    %dot_general3A_49 = arith.constant dense<0.000000e+00> : vector<256x1xf32>
    %dot_general3A_50 = tpu.matmul %convert_element_type3A_41, %broadcast_in_dim3A, %dot_general3A_49 {dimension_numbers = #tpu.dot_dimension_numbers<[1], [0], [0], [1], [0, 0, 1, 1], [], []>, precision = #tpu.contract_precision<fp32>, transpose_lhs_hint = false} : vector<256x256xf32>, vector<256x1xf32>, vector<256x1xf32> -> vector<256x1xf32>
    %add3A_51 = vector.broadcast %dot_general3A_50 : vector<256x1xf32> to vector<256x256xf32>
    %add3A_52 = arith.addf %dot_general3A_42, %add3A_51 : vector<256x256xf32>
    %dot_general3A_53 = arith.constant dense<0.000000e+00> : vector<256x1xf32>
    %dot_general3A_54 = tpu.matmul %convert_element_type3A_41, %broadcast_in_dim3A_48, %dot_general3A_53 {dimension_numbers = #tpu.dot_dimension_numbers<[1], [0], [0], [1], [0, 0, 1, 1], [], []>, precision = #tpu.contract_precision<fp32>, transpose_lhs_hint = false} : vector<256x256xf32>, vector<256x1xf32>, vector<256x1xf32> -> vector<256x1xf32>
    %add3A_55 = vector.broadcast %dot_general3A_54 : vector<256x1xf32> to vector<256x256xf32>
    %add3A_56 = arith.addf %dot_general3A_44, %add3A_55 : vector<256x256xf32>
    %reduce_sum3A_57 = vector.shape_cast %add3A_23 : vector<256x256xf32> to vector<1x256x256xf32>
    %reduce_sum3A_58 = arith.constant dense<0.000000e+00> : vector<1xf32>
    %reduce_sum3A_59 = vector.multi_reduction <add>, %reduce_sum3A_57, %reduce_sum3A_58 [1, 2] : vector<1x256x256xf32> to vector<1xf32>
    %reduce_sum3A_60 = vector.shape_cast %reduce_sum3A_59 : vector<1xf32> to vector<1x1x1xf32>
    %reduce_sum3A_61 = vector.extract %reduce_sum3A_60[0, 0, 0] : f32 from vector<1x1x1xf32>
    %add3A_62 = arith.addf %add3A_52, %add3A_56 : vector<256x256xf32>
    %gt3A = arith.constant 5.000000e-01 : f32
    %gt3A_63 = vector.broadcast %gt3A : f32 to vector<256x256xf32>
    %gt3A_64 = arith.cmpf ogt, %add3A_62, %gt3A_63 : vector<256x256xf32>
    %sub3A = vector.broadcast %reduce_sum3A_61 : f32 to vector<256x256xf32>
    %sub3A_65 = arith.subf %sub3A, %add3A_52 : vector<256x256xf32>
    %add3A_66 = vector.broadcast %reduce_sum3A_61 : f32 to vector<256x256xf32>
    %add3A_67 = arith.addf %add3A_66, %add3A_56 : vector<256x256xf32>
    %max3A = arith.constant 1.000000e+00 : f32
    %max3A_68 = vector.broadcast %max3A : f32 to vector<256x256xf32>
    %max3A_69 = arith.maximumf %add3A_67, %max3A_68 : vector<256x256xf32>
    %div3A = arith.divf %sub3A_65, %max3A_69 : vector<256x256xf32>
    %sub3A_70 = arith.constant 1.000000e+00 : f32
    %sub3A_71 = vector.broadcast %sub3A_70 : f32 to vector<256x256xf32>
    %sub3A_72 = arith.subf %sub3A_71, %div3A : vector<256x256xf32>
    %jit3A = arith.constant 0.000000e+00 : f32
    %broadcast_in_dim3A_73 = vector.broadcast %jit3A : f32 to vector<256x256xf32>
    %select_n3A = arith.select %gt3A_64, %sub3A_72, %broadcast_in_dim3A_73 : vector<256x256xi1>, vector<256x256xf32>
    %sub3A_74 = arith.constant 1 : i32
    %sub3A_75 = vector.broadcast %sub3A_74 : i32 to vector<256x256xi32>
    %sub3A_76 = arith.subi %iota3A_38, %sub3A_75 : vector<256x256xi32>
    %eq3A = arith.cmpi eq, %iota3A, %sub3A_76 : vector<256x256xi32>
    %convert_element_type3A_77 = arith.extui %eq3A : vector<256x256xi1> to vector<256x256xi32>
    %convert_element_type3A_78 = arith.sitofp %convert_element_type3A_77 : vector<256x256xi32> to vector<256x256xf32>
    %dot_general3A_79 = arith.constant dense<0.000000e+00> : vector<256x256xf32>
    %dot_general3A_80 = tpu.matmul %select_n3A, %convert_element_type3A_78, %dot_general3A_79 {dimension_numbers = #tpu.dot_dimension_numbers<[1], [0], [0], [1], [0, 0, 1, 1], [], []>, precision = #tpu.contract_precision<fp32>, transpose_lhs_hint = false} : vector<256x256xf32>, vector<256x256xf32>, vector<256x256xf32> -> vector<256x256xf32>
    %slice3A = vector.extract_strided_slice %select_n3A {offsets = [0, 255], sizes = [256, 1], strides = [1, 1]} : vector<256x256xf32> to vector<256x1xf32>
    %sub3A_81 = arith.constant 1 : i32
    %sub3A_82 = vector.broadcast %sub3A_81 : i32 to vector<256x256xi32>
    %sub3A_83 = arith.subi %iota3A, %sub3A_82 : vector<256x256xi32>
    %eq3A_84 = arith.cmpi eq, %iota3A_38, %sub3A_83 : vector<256x256xi32>
    %convert_element_type3A_85 = arith.extui %eq3A_84 : vector<256x256xi1> to vector<256x256xi32>
    %convert_element_type3A_86 = arith.sitofp %convert_element_type3A_85 : vector<256x256xi32> to vector<256x256xf32>
    %dot_general3A_87 = arith.constant dense<0.000000e+00> : vector<256x1xf32>
    %dot_general3A_88 = tpu.matmul %convert_element_type3A_86, %slice3A, %dot_general3A_87 {dimension_numbers = #tpu.dot_dimension_numbers<[1], [0], [0], [1], [0, 0, 1, 1], [], []>, precision = #tpu.contract_precision<fp32>, transpose_lhs_hint = false} : vector<256x256xf32>, vector<256x1xf32>, vector<256x1xf32> -> vector<256x1xf32>
    %eq3A_89 = arith.constant 0 : i32
    %eq3A_90 = vector.broadcast %eq3A_89 : i32 to vector<256x256xi32>
    %eq3A_91 = arith.cmpi eq, %iota3A_38, %eq3A_90 : vector<256x256xi32>
    %convert_element_type3A_92 = arith.extui %eq3A_91 : vector<256x256xi1> to vector<256x256xi32>
    %convert_element_type3A_93 = arith.sitofp %convert_element_type3A_92 : vector<256x256xi32> to vector<256x256xf32>
    %mul3A = vector.broadcast %dot_general3A_88 : vector<256x1xf32> to vector<256x256xf32>
    %mul3A_94 = arith.mulf %convert_element_type3A_93, %mul3A : vector<256x256xf32>
    %add3A_95 = arith.addf %dot_general3A_80, %mul3A_94 : vector<256x256xf32>
    %sub3A_96 = arith.subf %select_n3A, %add3A_95 : vector<256x256xf32>
    %sub3A_97 = arith.subf %reduce_max3A_37, %reduce_min3A_30 : f32
    %max3A_98 = arith.constant 1.000000e-30 : f32
    %max3A_99 = arith.maximumf %sub3A_97, %max3A_98 : f32
    %div3A_100 = arith.constant 6.553500e+04 : f32
    %div3A_101 = arith.divf %max3A_99, %div3A_100 : f32
    %mul3A_102 = arith.constant 256 : i32
    %mul3A_103 = vector.broadcast %mul3A_102 : i32 to vector<256x256xi32>
    %mul3A_104 = arith.muli %iota3A, %mul3A_103 : vector<256x256xi32>
    %add3A_105 = arith.addi %mul3A_104, %iota3A_38 : vector<256x256xi32>
    %convert_element_type3A_106 = arith.sitofp %add3A_105 : vector<256x256xi32> to vector<256x256xf32>
    %add3A_107 = arith.constant 5.000000e-01 : f32
    %add3A_108 = vector.broadcast %add3A_107 : f32 to vector<256x256xf32>
    %add3A_109 = arith.addf %convert_element_type3A_106, %add3A_108 : vector<256x256xf32>
    %mul3A_110 = vector.broadcast %div3A_101 : f32 to vector<256x256xf32>
    %mul3A_111 = arith.mulf %add3A_109, %mul3A_110 : vector<256x256xf32>
    %sub3A_112 = vector.broadcast %reduce_max3A_37 : f32 to vector<256x256xf32>
    %sub3A_113 = arith.subf %sub3A_112, %mul3A_111 : vector<256x256xf32>
    %max3A_114 = arith.constant 0.000000e+00 : f32
    %max3A_115 = vector.broadcast %max3A_114 : f32 to vector<256x256xf32>
    %max3A_116 = arith.maximumf %sub3A_113, %max3A_115 : vector<256x256xf32>
    %mul3A_117 = arith.mulf %max3A_116, %sub3A_96 : vector<256x256xf32>
    %reduce_sum3A_118 = vector.shape_cast %mul3A_117 : vector<256x256xf32> to vector<1x256x256xf32>
    %reduce_sum3A_119 = arith.constant dense<0.000000e+00> : vector<1xf32>
    %reduce_sum3A_120 = vector.multi_reduction <add>, %reduce_sum3A_118, %reduce_sum3A_119 [1, 2] : vector<1x256x256xf32> to vector<1xf32>
    %reduce_sum3A_121 = vector.shape_cast %reduce_sum3A_120 : vector<1xf32> to vector<1x1x1xf32>
    %reduce_sum3A_122 = vector.extract %reduce_sum3A_121[0, 0, 0] : f32 from vector<1x1x1xf32>
    %reshape3A = vector.broadcast %reduce_sum3A_122 : f32 to vector<1x1xf32>
    %swap3A = arith.constant 0 : index
    %swap3A_123 = arith.constant 0 : index
    %swap3A_124 = vector.load %arg2[%swap3A, %swap3A_123] : memref<1x1xf32, #tpu.memory_space<vmem>>, vector<1x1xf32>
    tpu.vector_store %arg2[%swap3A, %swap3A_123], %reshape3A {strides = array<i32>} : memref<1x1xf32, #tpu.memory_space<vmem>>, vector<1x1xf32>,
    return
  }
}

</mosaic_0001>

<sc_bundles>
// kernel: kernel.5.cloned.1.call-start
scs
__scs_entry_jumppad:
0x0: {  	(pc) =	sbr.rel $0x88, $3  }
0x1: {  	(tag) =	ssettag $0x0;
	lr =	simm.s32 $0x1  }
0x2: {  	[smem:$0x3F9F] =	sst lr;
	_ =	strace $0xD0000000  }
0x3: {  	_ = 	snop  }
0x4: {  	_ = 	snop  }
0x5: {  	_ = 	snop  }
0x6: {  	_ = 	snop  }
0x7: {  	_ = 	snop  }
__scs_overlays_trampoline_lowered:
0x8: {  	[smem:$0x3FAE] =	sst s0  }
0x9: {  	[smem:$0x3FAF] =	sst s1  }
0xa: {  	[smem:$0x3FB0] =	sst s2  }
0xb: {  	[smem:$0x3FB1] =	sst s3  }
0xc: {  	[smem:$0x3FB2] =	sst s4  }
0xd: {  	[smem:$0x3FB3] =	sst s5  }
0xe: {  	[smem:$0x3FB4] =	sst s6  }
0xf: {  	[smem:$0x3FB5] =	sst s7  }
0x10: {  	[smem:$0x3FB6] =	sst s8  }
0x11: {  	[smem:$0x3FB7] =	sst s9;
	s0 =	simm.s32 @!p0 $0x0  }
0x12: {  	s1 =	sld [smem:$0x3F9D];
	s0 =	simm.s32 @p0 $0x1  }
0x13: {  	[smem:$0x3FB8] =	sst s0;
	s0 =	simm.s32 @!p1 $0x0  }
0x14: {  	s2 =	sld [smem:$0x3F9C];
	s0 =	simm.s32 @p1 $0x1  }
0x15: {  	[smem:$0x3FB9] =	sst s0;
	s0 =	simm.s32 @!p2 $0x0  }
0x16: {  	s3 =	sld [smem:$0x3FDB];
	s0 =	simm.s32 @p2 $0x1  }
0x17: {  	s4 =	simm.s32 $0x1BF5;
	[smem:$0x3FBB] =	sst s0  }
0x18: {  	s0 =	sld [smem:$0x3F9E];
	_ =	swait.ge [sflag:s4], $0x0  }
0x19: {  	s7 =	sld [smem:$0x3F9F]  }
0x1a: {  	s8 =	sadd.s32 $0xFFFFE003, lr  }
0x1b: {  	s9 =	sadd.s32 $0xFFFFFEF7, lr;
	s5 =	simm.s32 $0xFFFFFFFF;
	p2 =	slt.u32 s8, $0xFFFFF086  }
0x1c: {  	p1 =	slt.u32 s9, $0xF7A;
	s5 =	simm.s32 @!p2 $0x0  }
0x1d: {  	s5 =	simm.s32 @p1 $0x1;
	p0 =	seq.s32 s7, s2  }
0x1e: {  	s7 =	smul.u32 @!p0 $0xF7A, s2;
	p2 =	seq.s32 @!p0 s5, $0x0  }
0x1f: {  	s9 =	smul.u32 $0xF7A, s1;
	s8 =	simm.s32 @!p0 $0x1BF5;
	p2 =	por !p2, p0  }
0x20: {  	[sflag:s8] =	ssyncset.s32 @!p0 $0xFFFFF086;
	s6 =	sadd.s32 @!p0 s3, s7;
	s7 =	simm.s32 @!p0 $0x108  }
0x21: {  	s3 =	sadd.s32 s3, s9;
	s6 =	sadd.s32 @!p0 $0x88, s6;
	s7 =	simm.s32 @p2 $0x1082  }
0x22: {  	[simem:s7], [sflag:s8] =	dma.local @!p0 [hbm:s6], $0xF7A  }
0x23: {  	s9 =	sor.u32 $0xD0000000, s2;
	s6 =	simm.s32 $0x108;
	_ =	swait.ge @!p0 [sflag:s8], $0x0  }
0x24: {  	s3 =	sadd.s32 $0x88, s3;
	s6 =	simm.s32 @!p1 $0x1082;
	[sflag:s4] =	ssyncset.s32 $0xFFFFF086  }
0x25: {  	[simem:s6], [sflag:s4] =	dma.local [hbm:s3], $0xF7A  }
0x26: {  	[smem:$0x3F9F] =	sst s1;
	(tag) =	ssettag s2;
	_ =	strace s9  }
0x27: {  	s1 =	sld [smem:$0x3FAF]  }
0x28: {  	s2 =	sld [smem:$0x3FB0]  }
0x29: {  	s4 =	sld [smem:$0x3FB2]  }
0x2a: {  	p0 =	seq.s32 s5, $0x0;
	s5 =	sld [smem:$0x3FB3]  }
0x2b: {  	s6 =	sld [smem:$0x3FB4]  }
0x2c: {  	s7 =	sld [smem:$0x3FB5]  }
0x2d: {  	s3 =	simm.s32 $0x108;
	s8 =	sld [smem:$0x3FB6]  }
0x2e: {  	s3 =	simm.s32 @!p0 $0x1082;
	s9 =	sld [smem:$0x3FB7]  }
0x2f: {  	lr =	sadd.s32 s0, s3;
	s0 =	sld [smem:$0x3FAE]  }
0x30: {  	s3 =	sld [smem:$0x3FB1]  }
0x31: {  	[smem:$0x3FBA] =	sst s10  }
0x32: {  	s10 =	sld [smem:$0x3FB8];
	_ =	sdelay $0x3  }
0x33: {  	p0 =	seq.s32 s10, $0x1;
	s10 =	sld [smem:$0x3FBA];
	_ =	sdelay $0x3  }
0x34: {  	[smem:$0x3FBA] =	sst s10  }
0x35: {  	s10 =	sld [smem:$0x3FB9];
	_ =	sdelay $0x3  }
0x36: {  	p1 =	seq.s32 s10, $0x1;
	s10 =	sld [smem:$0x3FBA];
	_ =	sdelay $0x3  }
0x37: {  	[smem:$0x3FBA] =	sst s10  }
0x38: {  	s10 =	sld [smem:$0x3FBB]  }
0x39: {  	_ = 	snop;
	(pc) =	sbr.ind lr, $3  }
0x3a: {  	_ = 	snop  }
0x3b: {  	_ = 	snop  }
0x3c: {  	p2 =	seq.s32 s10, $0x1;
	s10 =	sld [smem:$0x3FBA]  }
0x3d: {  	_ =	shalt  }
0x3e: {  	_ =	shalt  }
0x3f: {  	_ =	shalt  }
0x40: {  	_ =	shalt  }
0x41: {  	_ =	shalt  }
0x42: {  	_ =	shalt  }
0x43: {  	_ =	shalt  }
0x44: {  	_ =	shalt  }
0x45: {  	_ =	shalt  }
0x46: {  	_ =	shalt  }
0x47: {  	_ =	shalt  }
0x48: {  	_ =	shalt  }
0x49: {  	_ =	shalt  }
0x4a: {  	_ =	shalt  }
0x4b: {  	_ =	shalt  }
0x4c: {  	_ =	shalt  }
0x4d: {  	_ =	shalt  }
0x4e: {  	_ =	shalt  }
0x4f: {  	_ =	shalt  }
0x50: {  	_ =	shalt  }
0x51: {  	_ =	shalt  }
0x52: {  	_ =	shalt  }
0x53: {  	_ =	shalt  }
0x54: {  	_ =	shalt  }
0x55: {  	_ =	shalt  }
0x56: {  	_ =	shalt  }
0x57: {  	_ =	shalt  }
0x58: {  	_ =	shalt  }
0x59: {  	_ =	shalt  }
0x5a: {  	_ =	shalt  }
0x5b: {  	_ =	shalt  }
0x5c: {  	_ =	shalt  }
0x5d: {  	_ =	shalt  }
0x5e: {  	_ =	shalt  }
0x5f: {  	_ =	shalt  }
0x60: {  	_ =	shalt  }
0x61: {  	_ =	shalt  }
0x62: {  	_ =	shalt  }
0x63: {  	_ =	shalt  }
0x64: {  	_ =	shalt  }
0x65: {  	_ =	shalt  }
0x66: {  	_ =	shalt  }
0x67: {  	_ =	shalt  }
0x68: {  	_ =	shalt  }
0x69: {  	_ =	shalt  }
0x6a: {  	_ =	shalt  }
0x6b: {  	_ =	shalt  }
0x6c: {  	_ =	shalt  }
0x6d: {  	_ =	shalt  }
0x6e: {  	_ =	shalt  }
0x6f: {  	_ =	shalt  }
0x70: {  	_ =	shalt  }
0x71: {  	_ =	shalt  }
0x72: {  	_ =	shalt  }
0x73: {  	_ =	shalt  }
0x74: {  	_ =	shalt  }
0x75: {  	_ =	shalt  }
0x76: {  	_ =	shalt  }
0x77: {  	_ =	shalt  }
0x78: {  	_ =	shalt  }
0x79: {  	_ =	shalt  }
0x7a: {  	_ =	shalt  }
0x7b: {  	_ =	shalt  }
0x7c: {  	_ =	shalt  }
0x7d: {  	_ =	shalt  }
0x7e: {  	_ =	shalt  }
0x7f: {  	_ =	shalt  }
0x80: {  	_ =	shalt  }
0x81: {  	_ =	shalt  }
0x82: {  	_ =	shalt  }
0x83: {  	_ =	shalt  }
0x84: {  	_ =	shalt  }
0x85: {  	_ =	shalt  }
0x86: {  	_ =	shalt  }
0x87: {  	_ =	shalt  }
.Lfunc_end0:
.L_simem_size_0:
called_computation_lowered:
.L_overlay_start_0:
0x88: {  	s2 =	sld [smem:$0x3FD9]  }
0x89: {  	s3 =	sld [smem:$0x3FFE];
	_ =	sdelay $0x1  }
0x8a: {  	s1 =	srdreg.scid  }
0x8b: {  	s0 =	sand.u32 $0x1, s1  }
0x8c: {  	s16 =	sshll.u32 s0, $0xA;
	s2 =	sadd.s32 s3, s2  }
0x8d: {  	s2 =	sadd.s32 s2, s16  }
0x8e: {  	[smem:$0x3FC6] =	sst s2  }
0x8f: {  	_ = 	snop  }
0x90: {  	(tm) =	ssettm $0x1  }
0x91: {  	s17 =	sld [smem:$0x3FFB];
	_ =	sdelay $0x3  }
0x92: {  	_ =	strace s17  }
0x93: {  	s2 =	sld [smem:$0x3FFC];
	_ =	sdelay $0x3  }
0x94: {  	_ =	strace s2  }
0x95: {  	s2 =	sld [smem:$0x3FFD];
	_ =	sdelay $0x3  }
0x96: {  	_ =	strace s2  }
0x97: {  	_ =	strace $0x8FFFFFFF  }
0x98: {  	s18 =	sld [smem:$0x3FDB];
	_ =	sdelay $0x1  }
0x99: {  	s19 =	simm.s32 $_scs_section_size  }
0x9a: {  	s4 =	simm.s32 $_size__tile_overlayer_lowered;
	s5 =	simm.s32 $_tile_overlayer_lowered  }
0x9b: {  	s22 =	simm.s32 $0x1BFF;
	s21 =	sshll.u32 s5, $0x1;
	s2 =	sadd.s32 s19, s18  }
0x9c: {  	s6 =	simm.s32 $0x0;
	s20 =	sshll.u32 s4, $0x1;
	s4 =	sadd.s32 s21, s2  }
0x9d: {  	[timem:s6], [sflag:s22] =	dma.local [hbm:s4], s20  }
0x9e: {  	_ =	swait.ge [sflag:s22], s20  }
0x9f: {  	s3 =	ssub.s32 $0x0, s20;
	[sflag:s22] =	ssyncset.done $0x0  }
0xa0: {  	[sflag:s22] =	ssyncadd.s32 s3;
	_ =	sdelay $0x1  }
0xa1: {  	s23 =	simm.s32 $0x1B8B  }
0xa2: {  	_ =	swait.ge [sflag:s23], $0x1  }
0xa3: {  	[sflag:s23] =	ssyncset.done $0x0  }
0xa4: {  	s25 =	simm.s32 $0x1B8E;
	s24 =	sld [smem:$0x3FFE];
	[sflag:s23] =	ssyncadd.s32 $0xFFFFFFFF  }
0xa5: {  	s26 =	simm.s32 $execute0_lowered;
	[smem:$0x3FD2] =	sst s25  }
0xa6: {  	s4 =	sshll.u32 s26, $0x1;
	_ =	strace $0x80000046;
	[dreg:$0x1] =	wrdreg $0xFFFFFFFF  }
0xa7: {  	s28 =	simm.s32 $_size_execute0_lowered;
	s2 =	sadd.s32 s2, s4;
	[dreg:$0x0] =	wrdreg $0x0  }
0xa8: {  	s4 =	sshll.u32 s28, $0x1;
	[dreg:$0x2] =	wrdreg s2  }
0xa9: {  	[dreg:$0x3] =	wrdreg s4  }
0xaa: {  	[dreg:$0x4] =	wrdreg $0xC0  }
0xab: {  	_ =	task [dreg:s6], $0x5FFFF  }
0xac: {  	[dreg:$0x1] =	wrdreg $0xFFFFFFFF  }
0xad: {  	[dreg:$0x0] =	wrdreg $0x60  }
0xae: {  	[dreg:$0x2] =	wrdreg s24  }
0xaf: {  	[dreg:$0x3] =	wrdreg $0x9  }
0xb0: {  	_ =	task.clear_ibuf [dreg:s6], $0x4FFFF;
	_ =	strace $0x90000046  }
0xb1: {  	s29 =	simm.s32 $0x9;
	_ =	strace $0x80000048  }
0xb2: {  	_ =	swait.ge [sflag:s29], $0x1  }
0xb3: {  	[sflag:s29] =	ssyncadd.s32 $0xFFFFFFFF  }
0xb4: {  	_ =	strace $0x90000048  }
0xb5: {  	_ =	sfence  }
0xb6: {  	s30 =	sld [smem:$0x0];
	_ =	sdelay $0x2  }
0xb7: {  	s31 =	sshll.u32 s1, $0xD;
	s1 =	sshrl.u32 s1, $0x2  }
0xb8: {  	s3 =	sand.u32 $0x4000, s31;
	s1 =	sadd.s32 s1, s30  }
0xb9: {  	s0 =	sor.u32 s3, s0;
	s1 =	sshll.u32 s1, $0x11  }
0xba: {  	s0 =	sor.u32 s1, s0  }
0xbb: {  	s0 =	sadd.s32 $0x8F2B, s0  }
0xbc: {  	[sflag:s0] =	ssyncadd.remote.s32 $0x1  }
0xbd: {  	_ =	sfence.sel $0xFFFF  }
0xbe: {  	[dreg:$0x0] =	wrdreg $0xFFFFFFFF;
	(pc) =	sbr.abs _section_cstart, $3  }
0xbf: {  	[dreg:$0x1] =	wrdreg $0xFFFFFFFF  }
0xc0: {  	_ =	task.clear_ibuf [dreg:s6], $0x2FFFF;
	_ =	strace $0x9FFFFFFF  }
0xc1: {  	(tm) =	ssettm $0x7FFFFFFF  }
tec
execute0_lowered:
.L_overlay_start_1:
0x0: {  	(tag) =	ssettag $0x1  }
0x1: {  	s5 =	rddreg [dreg:$0x0]  }
0x2: {  	s0 =	rddreg [dreg:$0x1];
	s1 =	simm.s32 $0x0;
	s2 =	srdreg.scid  }
0x3: {  	s11 =	simm.s32 $0x1;
	s12 =	simm.s32 $0x10000;
	s13 =	simm.s32 $0x2  }
0x4: {  	s14 =	simm.s32 $0x0;
	[smem:$0x7FF] =	sst s1;
	s6 =	sand.u32 $0x1, s2  }
0x5: {  	s3 =	sadd.s32 $0xC00, s5;
	s2 =	stileid.u32;
	s4 =	sadd.s32 $0x80C00, s5  }
0x6: {  	_ =	strace $0x80000047;
	s7 =	sshll.u32 s6, $0x4;
	s8 =	sshll.u32 s2, $0x5  }
0x7: {  	s6 =	ssub.s32 $0x2, s6;
	s7 =	sor.u32 s2, s7;
	s8 =	sand.u32 $0x60, s8  }
0x8: {  	s31 =	sshrl.u32 s6, $0x1;
	s9 =	sshll.u32 s7, $0x5;
	s8 =	sadd.s32 s8, s5  }
0x9: {  	s10 =	ssub.s32 s6, s31;
	s5 =	sshll.u32 s7, $0xE;
	s9 =	sand.u32 $0x380, s9  }
0xa: {  	s6 =	sadd.s32 s3, s5;
	s7 =	sadd.s32 s4, s5;
	s8 =	sadd.s32 s9, s8  }
0xb: {  	s9 =	smax.u32 s10, $0x1;
	s10 =	simm.s32 $0x8000;
	s8 =	sadd.s32 $0x100C00, s8  }
.LBB2_1:
0xc: {  	[tilespmem:s1], [sflag:$0x1] =	stream.linear.gather [hbm4b:s6+s1], $0x4000, $0x38;
	[tilespmem:$0x10100] =	vst v63  }
0xd: {  	v8 =	vimm.f32 $3.000000010e+38;
	p0 =	por $0x0, $0x0;
	s15 =	simm.s32 $0x0  }
0xe: {  	v10 =	vimm.f32 $-3.000000010e+38;
	[tilespmem:s10], [sflag:$0x1] =	stream.linear.gather [hbm4b:s7+s1], $0x4000, $0x38;
	[tilespmem:$0x10100] =	vst v63  }
.LBB2_2:
0xf: {  	s16 =	simm.s32 $0x1  }
0x10: {  	_ =	swait.ge [sflag:s11], $0x4000;
	p1 =	seq.s32 s15, $0x7;
	s16 =	simm.s32 @!p0 $0x0  }
0x11: {  	[sflag:s11] =	ssyncset.done $0x0;
	s18 =	sadd.s32 @!p1 $0x1, s15;
	s21 =	simm.s32 @!p1 $0x0  }
0x12: {  	s16 =	sshll.u32 s16, $0xE;
	[sflag:s11] =	ssyncadd.s32 $0xFFFFC000;
	s19 =	sshll.u32 @!p1 s18, $0xB  }
0x13: {  	s18 =	sshll.u32 @!p1 s18, $0xE;
	s17 =	sor.u32 $0x40, s16;
	_ =	swait.ge [sflag:s11], $0x4000  }
0x14: {  	s16 =	sor.u32 $0x8070, s16;
	s19 =	sadd.s32 @!p1 s5, s19;
	[sflag:s11] =	ssyncset.done $0x0;
	v0 =	vmov s17  }
0x15: {  	s18 =	sand.u32 @!p1 $0x4000, s18;
	s20 =	sadd.s32 @!p1 s3, s19;
	v1 =	vmov s16;
	[sflag:s11] =	ssyncadd.s32 $0xFFFFC000  }
0x16: {  	[tilespmem:s18], [sflag:$0x1] =	stream.linear.gather @!p1 [hbm4b:s20+s21], $0x4000, $0x38;
	[tilespmem:$0x10100] =	vst v63  }
0x17: {  	s31 =	simm.s32 $0x0;
	s16 =	sor.u32 @!p1 $0x8000, s18;
	s17 =	sadd.s32 @!p1 s4, s19  }
0x18: {  	[tilespmem:s16], [sflag:$0x1] =	stream.linear.gather @!p1 [hbm4b:s17+s21], $0x4000, $0x38;
	[tilespmem:$0x10100] =	vst v63  }
0x19: {  	v4 =	vld.idx.msk [tilespmem:v0+s31+$0xFFFFFFD0 ss:$0x1], $0xffff  }
0x1a: {  	v2 =	vld.idx.msk [tilespmem:v1+s31+$0xFFFFFFB0 ss:$0x1], $0xffff  }
0x1b: {  	v3 =	vld.idx.msk [tilespmem:v1+s31+$0xFFFFFFA0 ss:$0x1], $0xffff  }
0x1c: {  	v5 =	vld.idx.msk [tilespmem:v1+s31+$0xFFFFFFC0 ss:$0x1], $0xffff  }
0x1d: {  	v6 =	vld.idx.msk [tilespmem:v1+s31+$0xFFFFFF90 ss:$0x1], $0xffff  }
0x1e: {  	v7 =	vld.idx.msk [tilespmem:v1+s31+$0xFFFFFFD0 ss:$0x1], $0xffff  }
0x1f: {  	v9 =	vld.idx.msk [tilespmem:v0+s31+$0xFFFFFFE0 ss:$0x1], $0xffff  }
0x20: {  	v11 =	vld.idx.msk [tilespmem:v0+s31+$0xFFFFFFC0 ss:$0x1], $0xffff  }
0x21: {  	v12 =	vld.idx.msk [tilespmem:v0+s31+$0xFFFFFFF0 ss:$0x1], $0xffff  }
0x22: {  	v13 =	vld.idx.msk [tilespmem:v1+s31+$0xFFFFFFE0 ss:$0x1], $0xffff  }
0x23: {  	v14 =	vld.idx.msk [tilespmem:v1+s31+$0xFFFFFFF0 ss:$0x1], $0xffff  }
0x24: {  	s16 =	simm.s32 $0x80;
	v16 =	vld.idx.msk [tilespmem:v1+s31+$0x0 ss:$0x1], $0xffff  }
0x25: {  	v21 =	vld.idx.msk [tilespmem:v1+s16+$0xFFFFFFB0 ss:$0x1], $0xffff  }
0x26: {  	v23 =	vld.idx.msk [tilespmem:v1+s16+$0xFFFFFFC0 ss:$0x1], $0xffff;
	v17 =	vadd.f32 v2, v2;
	v5 =	vadd.f32 v5, v5  }
0x27: {  	v15 =	vld.idx.msk [tilespmem:v0+s31+$0x0 ss:$0x1], $0xffff;
	v7 =	vadd.f32 v7, v7;
	v6 =	vadd.f32 v6, v6  }
0x28: {  	v18 =	vld.idx.msk [tilespmem:v0+s31+$0x20 ss:$0x1], $0xffff;
	v3 =	vadd.f32 v3, v3;
	v14 =	vadd.f32 v14, v14  }
0x29: {  	v19 =	vld.idx.msk [tilespmem:v0+s31+$0x10 ss:$0x1], $0xffff;
	v13 =	vadd.f32 v13, v13;
	v26 =	vadd.f32 v16, v16  }
0x2a: {  	v24 =	vld.idx.msk [tilespmem:v0+s16+$0xFFFFFFE0 ss:$0x1], $0xffff;
	v17 =	vadd.f32 $-1.000000000e+00, v17;
	v20 =	vadd.f32 $-1.000000000e+00, v5  }
0x2b: {  	v27 =	vld.idx.msk [tilespmem:v0+s16+$0xFFFFFFF0 ss:$0x1], $0xffff;
	v16 =	vadd.f32 v21, v21;
	v21 =	vadd.f32 v23, v23  }
0x2c: {  	v2 =	vld.idx.msk [tilespmem:v0+s31+$0x30 ss:$0x1], $0xffff;
	v9 =	vmul.f32 v17, v9;
	v17 =	vadd.f32 $-1.000000000e+00, v6;
	v12 =	vmul.f32 v20, v12  }
0x2d: {  	v7 =	vadd.f32 $-1.000000000e+00, v7;
	v22 =	vadd.f32 $-1.000000000e+00, v3;
	v20 =	vld.idx.msk [tilespmem:v1+s16+$0xFFFFFFA0 ss:$0x1], $0xffff  }
0x2e: {  	v6 =	vsub.f32 $1.000000000e+00, v9;
	v3 =	vsub.f32 $1.000000000e+00, v12;
	v12 =	vld.idx.msk [tilespmem:v1+s16+$0xFFFFFF90 ss:$0x1], $0xffff;
	v9 =	vmul.f32 v17, v11  }
0x2f: {  	v14 =	vadd.f32 $-1.000000000e+00, v14;
	v7 =	vmul.f32 v7, v15;
	v11 =	vmul.f32 v22, v4;
	v22 =	vld.idx.msk [tilespmem:v1+s16+$0xFFFFFFD0 ss:$0x1], $0xffff  }
0x30: {  	v5 =	vld.idx.msk [tilespmem:v0+s16+$0xFFFFFFD0 ss:$0x1], $0xffff;
	v13 =	vadd.f32 $-1.000000000e+00, v13;
	v25 =	vsub.f32 $1.000000000e+00, v9  }
0x31: {  	v14 =	vmul.f32 v14, v18;
	v4 =	vsub.f32 $1.000000000e+00, v7;
	v7 =	vld.idx.msk [tilespmem:v0+s16+$0xFFFFFFC0 ss:$0x1], $0xffff;
	v11 =	vsub.f32 $1.000000000e+00, v11  }
0x32: {  	v63 =	vadd.f32 $-1.000000000e+00, v21;
	v17 =	vld.idx.msk [tilespmem:v1+s16+$0xFFFFFFF0 ss:$0x1], $0xffff;
	v15 =	vadd.f32 v20, v20;
	v8 =	vmin.f32 v8, v25  }
0x33: {  	v9 =	vld.idx.msk [tilespmem:v1+s16+$0xFFFFFFE0 ss:$0x1], $0xffff;
	v20 =	vmin.f32 v8, v11;
	v8 =	vsub.f32 $1.000000000e+00, v14;
	v14 =	vadd.f32 $-1.000000000e+00, v16  }
0x34: {  	v10 =	vmax.f32 v10, v25;
	v12 =	vadd.f32 v12, v12;
	v16 =	vld.idx.msk [tilespmem:v0+s16+$0x0 ss:$0x1], $0xffff;
	v22 =	vadd.f32 v22, v22  }
0x35: {  	v23 =	vmul.f32 v13, v19;
	v18 =	vmax.f32 v10, v11;
	v10 =	vld.idx.msk [tilespmem:v1+s16+$0x0 ss:$0x1], $0xffff;
	v11 =	vmul.f32 v14, v24  }
0x36: {  	v21 =	vmin.f32 v20, v6;
	v14 =	vadd.f32 $-1.000000000e+00, v12;
	v20 =	vadd.f32 $-1.000000000e+00, v22;
	v12 =	vld.idx.msk [tilespmem:v0+s16+$0x30 ss:$0x1], $0xffff  }
0x37: {  	s17 =	simm.s32 $0x400;
	v19 =	vmul.f32 v63, v27;
	v22 =	vadd.f32 $-1.000000000e+00, v26;
	v13 =	vsub.f32 $1.000000000e+00, v11;
	v11 =	vld.idx.msk [tilespmem:v0+s16+$0x20 ss:$0x1], $0xffff  }
.LBB2_3:
0x38: {  	p1 =	sne.s32 s17, $0xFE00;
	v15 =	vadd.f32 $-1.000000000e+00, v15;
	v24 =	vld.idx.msk [tilespmem:v0+s16+$0x10 ss:$0x1], $0xffff;
	s16 =	sshra.s32 s17, $0x2;
	s17 =	sadd.s32 $0x200, s17;
	v21 =	vmin.f32 v21, v3;
	v23 =	vsub.f32 $1.000000000e+00, v23  }
0x39: {  	v17 =	vadd.f32 v17, v17;
	v26 =	vmax.f32 v18, v6;
	v25 =	vld.idx.msk [tilespmem:v0+s16+$0xFFFFFFD0 ss:$0x1], $0xffff;
	v18 =	vmin.f32 v21, v4  }
0x3a: {  	v16 =	vmul.f32 v20, v16;
	v22 =	vmul.f32 v22, v2;
	v21 =	vld.idx.msk [tilespmem:v1+s16+$0xFFFFFFB0 ss:$0x1], $0xffff;
	v18 =	vmin.f32 v18, v23  }
0x3b: {  	v6 =	vmovc v13;
	v15 =	vmul.f32 v15, v5;
	v5 =	vmax.f32 v26, v3;
	v3 =	vsub.f32 $1.000000000e+00, v19;
	v20 =	vld.idx.msk [tilespmem:v1+s16+$0xFFFFFFA0 ss:$0x1], $0xffff  }
0x3c: {  	v5 =	vmax.f32 v5, v4;
	v4 =	vsub.f32 $1.000000000e+00, v16;
	v16 =	vsub.f32 $1.000000000e+00, v22;
	v2 =	vmovc v12;
	v13 =	vld.idx.msk [tilespmem:v1+s16+$0xFFFFFFC0 ss:$0x1], $0xffff  }
0x3d: {  	v7 =	vmul.f32 v14, v7;
	v14 =	vmin.f32 v18, v8;
	v23 =	vmax.f32 v5, v23;
	v12 =	vld.idx.msk [tilespmem:v1+s16+$0xFFFFFF90 ss:$0x1], $0xffff  }
0x3e: {  	v9 =	vadd.f32 v9, v9;
	v17 =	vadd.f32 $-1.000000000e+00, v17;
	v14 =	vmin.f32 v14, v16;
	v18 =	vld.idx.msk [tilespmem:v1+s16+$0xFFFFFFD0 ss:$0x1], $0xffff  }
0x3f: {  	v26 =	vadd.f32 v10, v10;
	v22 =	vsub.f32 $1.000000000e+00, v7;
	v8 =	vmax.f32 v23, v8;
	v5 =	vmovc v25;
	v19 =	vld.idx.msk [tilespmem:v0+s16+$0xFFFFFFE0 ss:$0x1], $0xffff  }
0x40: {  	v10 =	vsub.f32 $1.000000000e+00, v15;
	v11 =	vmul.f32 v17, v11;
	v23 =	vadd.f32 $-1.000000000e+00, v9;
	v7 =	vld.idx.msk [tilespmem:v0+s16+$0xFFFFFFC0 ss:$0x1], $0xffff  }
0x41: {  	v14 =	vmin.f32 v14, v22;
	v16 =	vmax.f32 v8, v16;
	v17 =	vadd.f32 v21, v21;
	v25 =	vld.idx.msk [tilespmem:v0+s16+$0xFFFFFFF0 ss:$0x1], $0xffff  }
0x42: {  	v8 =	vsub.f32 $1.000000000e+00, v11;
	v14 =	vmin.f32 v14, v10;
	v15 =	vadd.f32 v20, v20;
	v9 =	vld.idx.msk [tilespmem:v1+s16+$0xFFFFFFE0 ss:$0x1], $0xffff  }
.Ltmp0:
0x43: {  	v20 =	vmax.f32 v16, v22;
	v11 =	vadd.f32 $-1.000000000e+00, v17;
	v13 =	vadd.f32 v13, v13;
	v17 =	vld.idx.msk [tilespmem:v1+s16+$0xFFFFFFF0 ss:$0x1], $0xffff;
	(pc) =	sbr.rel @p1 .LBB2_3-.Ltmp0, $4  }
0x44: {  	v12 =	vadd.f32 v12, v12;
	v22 =	vadd.f32 v18, v18;
	v18 =	vmax.f32 v20, v10;
	v16 =	vld.idx.msk [tilespmem:v0+s16+$0x0 ss:$0x1], $0xffff  }
0x45: {  	v21 =	vmin.f32 v14, v6;
	v11 =	vmul.f32 v11, v19;
	v19 =	vadd.f32 $-1.000000000e+00, v13;
	v10 =	vld.idx.msk [tilespmem:v1+s16+$0x0 ss:$0x1], $0xffff  }
0x46: {  	v23 =	vmul.f32 v23, v24;
	v14 =	vadd.f32 $-1.000000000e+00, v12;
	v20 =	vadd.f32 $-1.000000000e+00, v22;
	v12 =	vld.idx.msk [tilespmem:v0+s16+$0x30 ss:$0x1], $0xffff  }
0x47: {  	v22 =	vadd.f32 $-1.000000000e+00, v26;
	v13 =	vsub.f32 $1.000000000e+00, v11;
	v19 =	vmul.f32 v19, v25;
	v11 =	vld.idx.msk [tilespmem:v0+s16+$0x20 ss:$0x1], $0xffff  }
0x48: {  	v1 =	vadd.f32 $-1.000000000e+00, v15  }
0x49: {  	v54 =	vmin.f32 v21, v3;
	v55 =	vsub.f32 $1.000000000e+00, v23;
	v17 =	vadd.f32 v17, v17  }
0x4a: {  	v6 =	vmax.f32 v18, v6;
	v58 =	vmul.f32 v14, v7;
	v9 =	vadd.f32 v9, v9  }
0x4b: {  	v15 =	vmin.f32 v54, v4;
	v16 =	vmul.f32 v20, v16;
	v2 =	vmul.f32 v22, v2  }
0x4c: {  	v0 =	vld.idx.msk [tilespmem:v0+s16+$0x10 ss:$0x1], $0xffff;
	v56 =	vsub.f32 $1.000000000e+00, v19;
	v57 =	vmax.f32 v6, v3;
	v15 =	vmin.f32 v15, v55  }
0x4d: {  	v3 =	vmax.f32 v57, v4;
	v4 =	vsub.f32 $1.000000000e+00, v58;
	v59 =	vadd.f32 $-1.000000000e+00, v9  }
0x4e: {  	v1 =	vmul.f32 v1, v5;
	v60 =	vadd.f32 $-1.000000000e+00, v17;
	v6 =	vsub.f32 $1.000000000e+00, v16  }
0x4f: {  	v2 =	vsub.f32 $1.000000000e+00, v2;
	v3 =	vmax.f32 v3, v55;
	v7 =	vmin.f32 v15, v8  }
0x50: {  	v3 =	vmax.f32 v3, v8;
	v8 =	vadd.f32 v10, v10;
	v1 =	vsub.f32 $1.000000000e+00, v1  }
0x51: {  	v7 =	vmin.f32 v7, v2;
	v2 =	vmax.f32 v3, v2;
	v0 =	vmul.f32 v59, v0  }
0x52: {  	v7 =	vmin.f32 v7, v4;
	v2 =	vmax.f32 v2, v4;
	v62 =	vadd.f32 $-1.000000000e+00, v8  }
0x53: {  	s15 =	sadd.s32 $0x1, s15;
	v4 =	vmul.f32 v60, v11;
	v7 =	vmin.f32 v7, v1;
	v1 =	vmax.f32 v2, v1  }
0x54: {  	p1 =	sne.s32 s15, $0x8;
	v0 =	vsub.f32 $1.000000000e+00, v0;
	v61 =	vmin.f32 v7, v13;
	v1 =	vmax.f32 v1, v13  }
.Ltmp1:
0x55: {  	v3 =	vmul.f32 v62, v12;
	v2 =	vmin.f32 v61, v56;
	v1 =	vmax.f32 v1, v56;
	(pc) =	sbr.rel @p1 .LBB2_2-.Ltmp1, $4  }
0x56: {  	v4 =	vsub.f32 $1.000000000e+00, v4;
	v2 =	vmin.f32 v2, v6;
	v1 =	vmax.f32 v1, v6  }
0x57: {  	v3 =	vsub.f32 $1.000000000e+00, v3;
	v2 =	vmin.f32 v2, v0;
	v0 =	vmax.f32 v1, v0  }
0x58: {  	v63 =	vmin.f32 v2, v4;
	v0 =	vmax.f32 v0, v4  }
0x59: {  	p0 =	por !p0, !p0;
	v8 =	vmin.f32 v63, v3;
	v10 =	vmax.f32 v0, v3  }
0x5a: {  	s14 =	sadd.s32 $0x1, s14  }
0x5b: {  	[tilespmem:$0x10000] =	vst v8;
	p0 =	sne.s32 s14, s9  }
.Ltmp2:
0x5c: {  	[tilespmem:$0x10080] =	vst v10;
	(pc) =	sbr.rel @p0 .LBB2_1-.Ltmp2, $4  }
0x5d: {  	[hbm4b:s8+s1] =	stream.linear.scatter [tilespmem:s12], [sflag:$0x2], $0x100, $0x38;
	[tilespmem:$0x10100] =	vst v63  }
0x5e: {  	_ =	swait.ge [sflag:s13], $0x100  }
0x5f: {  	[sflag:s13] =	ssyncset.done $0x0  }
0x60: {  	[sflag:s13] =	ssyncadd.s32 $0xFFFFFF00  }
0x61: {  	_ =	sfence.sel $0x180000  }
0x62: {  	[bflag:$0x0] =	sbarrier.arrive $0xFFFF  }
0x63: {  	p0 =	sne.s32 s2, $0x0;
	_ =	strace $0x90000047  }
0x64: {  	s0 =	sadd.s32 @!p0 $0x100000, s0;
	[bflag:$0x2] =	sbarrier.arrive $0xFFFF  }
0x65: {  	[sflag:s0] =	ssyncadd.tile.s32 @!p0 $0x1;
	_ =	shalt  }
.Lfunc_end2:
_tile_overlayer_lowered:
.L_overlay_start_2:
0x66: {  	(tag) =	ssettag $0x2  }
0x67: {  	s0 =	rddreg [dreg:$0x0];
	s2 =	stileid.u32  }
0x68: {  	s1 =	rddreg [dreg:$0x1];
	p0 =	sne.s32 s2, $0x0  }
0x69: {  	s3 =	rddreg [dreg:$0x2];
	[bflag:$0x3] =	sbarrier.arrive $0xFFFF;
	s2 =	simm.s32 @!p0 $0x1C02  }
0x6a: {  	[timem:s3], [sflag:s2] =	dma.local @!p0 [hbm:s0], s1  }
0x6b: {  	s0 =	simm.s32 @!p0 $0x2  }
0x6c: {  	_ =	swait.ge @!p0 [sflag:s0], s1  }
0x6d: {  	s1 =	ssub.s32 @!p0 $0x0, s1;
	[sflag:s0] =	ssyncset.done @!p0 $0x0  }
0x6e: {  	[sflag:s0] =	ssyncadd.s32 @!p0 s1  }
0x6f: {  	[bflag:$0x3] =	sbarrier.arrive $0xFFFF  }
0x70: {  	_ =	shalt  }

// kernel: kernel.8.cloned.1.call-start
scs
__scs_entry_jumppad:
0x0: {  	(pc) =	sbr.rel $0x88, $3  }
0x1: {  	(tag) =	ssettag $0x0;
	lr =	simm.s32 $0x1  }
0x2: {  	[smem:$0x3F9F] =	sst lr;
	_ =	strace $0xD0000000  }
0x3: {  	_ = 	snop  }
0x4: {  	_ = 	snop  }
0x5: {  	_ = 	snop  }
0x6: {  	_ = 	snop  }
0x7: {  	_ = 	snop  }
__scs_overlays_trampoline_lowered:
0x8: {  	[smem:$0x3FAE] =	sst s0  }
0x9: {  	[smem:$0x3FAF] =	sst s1  }
0xa: {  	[smem:$0x3FB0] =	sst s2  }
0xb: {  	[smem:$0x3FB1] =	sst s3  }
0xc: {  	[smem:$0x3FB2] =	sst s4  }
0xd: {  	[smem:$0x3FB3] =	sst s5  }
0xe: {  	[smem:$0x3FB4] =	sst s6  }
0xf: {  	[smem:$0x3FB5] =	sst s7  }
0x10: {  	[smem:$0x3FB6] =	sst s8  }
0x11: {  	[smem:$0x3FB7] =	sst s9;
	s0 =	simm.s32 @!p0 $0x0  }
0x12: {  	s1 =	sld [smem:$0x3F9D];
	s0 =	simm.s32 @p0 $0x1  }
0x13: {  	[smem:$0x3FB8] =	sst s0;
	s0 =	simm.s32 @!p1 $0x0  }
0x14: {  	s2 =	sld [smem:$0x3F9C];
	s0 =	simm.s32 @p1 $0x1  }
0x15: {  	[smem:$0x3FB9] =	sst s0;
	s0 =	simm.s32 @!p2 $0x0  }
0x16: {  	s3 =	sld [smem:$0x3FDB];
	s0 =	simm.s32 @p2 $0x1  }
0x17: {  	s4 =	simm.s32 $0x1BF5;
	[smem:$0x3FBB] =	sst s0  }
0x18: {  	s0 =	sld [smem:$0x3F9E];
	_ =	swait.ge [sflag:s4], $0x0  }
0x19: {  	s7 =	sld [smem:$0x3F9F]  }
0x1a: {  	s8 =	sadd.s32 $0xFFFFE003, lr  }
0x1b: {  	s9 =	sadd.s32 $0xFFFFFEF7, lr;
	s5 =	simm.s32 $0xFFFFFFFF;
	p2 =	slt.u32 s8, $0xFFFFF086  }
0x1c: {  	p1 =	slt.u32 s9, $0xF7A;
	s5 =	simm.s32 @!p2 $0x0  }
0x1d: {  	s5 =	simm.s32 @p1 $0x1;
	p0 =	seq.s32 s7, s2  }
0x1e: {  	s7 =	smul.u32 @!p0 $0xF7A, s2;
	p2 =	seq.s32 @!p0 s5, $0x0  }
0x1f: {  	s9 =	smul.u32 $0xF7A, s1;
	s8 =	simm.s32 @!p0 $0x1BF5;
	p2 =	por !p2, p0  }
0x20: {  	[sflag:s8] =	ssyncset.s32 @!p0 $0xFFFFF086;
	s6 =	sadd.s32 @!p0 s3, s7;
	s7 =	simm.s32 @!p0 $0x108  }
0x21: {  	s3 =	sadd.s32 s3, s9;
	s6 =	sadd.s32 @!p0 $0x88, s6;
	s7 =	simm.s32 @p2 $0x1082  }
0x22: {  	[simem:s7], [sflag:s8] =	dma.local @!p0 [hbm:s6], $0xF7A  }
0x23: {  	s9 =	sor.u32 $0xD0000000, s2;
	s6 =	simm.s32 $0x108;
	_ =	swait.ge @!p0 [sflag:s8], $0x0  }
0x24: {  	s3 =	sadd.s32 $0x88, s3;
	s6 =	simm.s32 @!p1 $0x1082;
	[sflag:s4] =	ssyncset.s32 $0xFFFFF086  }
0x25: {  	[simem:s6], [sflag:s4] =	dma.local [hbm:s3], $0xF7A  }
0x26: {  	[smem:$0x3F9F] =	sst s1;
	(tag) =	ssettag s2;
	_ =	strace s9  }
0x27: {  	s1 =	sld [smem:$0x3FAF]  }
0x28: {  	s2 =	sld [smem:$0x3FB0]  }
0x29: {  	s4 =	sld [smem:$0x3FB2]  }
0x2a: {  	p0 =	seq.s32 s5, $0x0;
	s5 =	sld [smem:$0x3FB3]  }
0x2b: {  	s6 =	sld [smem:$0x3FB4]  }
0x2c: {  	s7 =	sld [smem:$0x3FB5]  }
0x2d: {  	s3 =	simm.s32 $0x108;
	s8 =	sld [smem:$0x3FB6]  }
0x2e: {  	s3 =	simm.s32 @!p0 $0x1082;
	s9 =	sld [smem:$0x3FB7]  }
0x2f: {  	lr =	sadd.s32 s0, s3;
	s0 =	sld [smem:$0x3FAE]  }
0x30: {  	s3 =	sld [smem:$0x3FB1]  }
0x31: {  	[smem:$0x3FBA] =	sst s10  }
0x32: {  	s10 =	sld [smem:$0x3FB8];
	_ =	sdelay $0x3  }
0x33: {  	p0 =	seq.s32 s10, $0x1;
	s10 =	sld [smem:$0x3FBA];
	_ =	sdelay $0x3  }
0x34: {  	[smem:$0x3FBA] =	sst s10  }
0x35: {  	s10 =	sld [smem:$0x3FB9];
	_ =	sdelay $0x3  }
0x36: {  	p1 =	seq.s32 s10, $0x1;
	s10 =	sld [smem:$0x3FBA];
	_ =	sdelay $0x3  }
0x37: {  	[smem:$0x3FBA] =	sst s10  }
0x38: {  	s10 =	sld [smem:$0x3FBB]  }
0x39: {  	_ = 	snop;
	(pc) =	sbr.ind lr, $3  }
0x3a: {  	_ = 	snop  }
0x3b: {  	_ = 	snop  }
0x3c: {  	p2 =	seq.s32 s10, $0x1;
	s10 =	sld [smem:$0x3FBA]  }
0x3d: {  	_ =	shalt  }
0x3e: {  	_ =	shalt  }
0x3f: {  	_ =	shalt  }
0x40: {  	_ =	shalt  }
0x41: {  	_ =	shalt  }
0x42: {  	_ =	shalt  }
0x43: {  	_ =	shalt  }
0x44: {  	_ =	shalt  }
0x45: {  	_ =	shalt  }
0x46: {  	_ =	shalt  }
0x47: {  	_ =	shalt  }
0x48: {  	_ =	shalt  }
0x49: {  	_ =	shalt  }
0x4a: {  	_ =	shalt  }
0x4b: {  	_ =	shalt  }
0x4c: {  	_ =	shalt  }
0x4d: {  	_ =	shalt  }
0x4e: {  	_ =	shalt  }
0x4f: {  	_ =	shalt  }
0x50: {  	_ =	shalt  }
0x51: {  	_ =	shalt  }
0x52: {  	_ =	shalt  }
0x53: {  	_ =	shalt  }
0x54: {  	_ =	shalt  }
0x55: {  	_ =	shalt  }
0x56: {  	_ =	shalt  }
0x57: {  	_ =	shalt  }
0x58: {  	_ =	shalt  }
0x59: {  	_ =	shalt  }
0x5a: {  	_ =	shalt  }
0x5b: {  	_ =	shalt  }
0x5c: {  	_ =	shalt  }
0x5d: {  	_ =	shalt  }
0x5e: {  	_ =	shalt  }
0x5f: {  	_ =	shalt  }
0x60: {  	_ =	shalt  }
0x61: {  	_ =	shalt  }
0x62: {  	_ =	shalt  }
0x63: {  	_ =	shalt  }
0x64: {  	_ =	shalt  }
0x65: {  	_ =	shalt  }
0x66: {  	_ =	shalt  }
0x67: {  	_ =	shalt  }
0x68: {  	_ =	shalt  }
0x69: {  	_ =	shalt  }
0x6a: {  	_ =	shalt  }
0x6b: {  	_ =	shalt  }
0x6c: {  	_ =	shalt  }
0x6d: {  	_ =	shalt  }
0x6e: {  	_ =	shalt  }
0x6f: {  	_ =	shalt  }
0x70: {  	_ =	shalt  }
0x71: {  	_ =	shalt  }
0x72: {  	_ =	shalt  }
0x73: {  	_ =	shalt  }
0x74: {  	_ =	shalt  }
0x75: {  	_ =	shalt  }
0x76: {  	_ =	shalt  }
0x77: {  	_ =	shalt  }
0x78: {  	_ =	shalt  }
0x79: {  	_ =	shalt  }
0x7a: {  	_ =	shalt  }
0x7b: {  	_ =	shalt  }
0x7c: {  	_ =	shalt  }
0x7d: {  	_ =	shalt  }
0x7e: {  	_ =	shalt  }
0x7f: {  	_ =	shalt  }
0x80: {  	_ =	shalt  }
0x81: {  	_ =	shalt  }
0x82: {  	_ =	shalt  }
0x83: {  	_ =	shalt  }
0x84: {  	_ =	shalt  }
0x85: {  	_ =	shalt  }
0x86: {  	_ =	shalt  }
0x87: {  	_ =	shalt  }
.Lfunc_end0:
.L_simem_size_0:
called_computation.1_lowered:
.L_overlay_start_0:
0x88: {  	s2 =	sld [smem:$0x3FD9]  }
0x89: {  	s3 =	sld [smem:$0x3FFE];
	_ =	sdelay $0x1  }
0x8a: {  	s1 =	srdreg.scid  }
0x8b: {  	s0 =	sand.u32 $0x1, s1  }
0x8c: {  	s16 =	sshll.u32 s0, $0xA;
	s2 =	sadd.s32 s3, s2  }
0x8d: {  	s2 =	sadd.s32 s2, s16  }
0x8e: {  	[smem:$0x3FC6] =	sst s2  }
0x8f: {  	_ = 	snop  }
0x90: {  	(tm) =	ssettm $0x1  }
0x91: {  	s17 =	sld [smem:$0x3FFB];
	_ =	sdelay $0x3  }
0x92: {  	_ =	strace s17  }
0x93: {  	s2 =	sld [smem:$0x3FFC];
	_ =	sdelay $0x3  }
0x94: {  	_ =	strace s2  }
0x95: {  	s2 =	sld [smem:$0x3FFD];
	_ =	sdelay $0x3  }
0x96: {  	_ =	strace s2  }
0x97: {  	_ =	strace $0x8FFFFFFF  }
0x98: {  	s18 =	sld [smem:$0x3FDB];
	_ =	sdelay $0x1  }
0x99: {  	s19 =	simm.s32 $_scs_section_size  }
0x9a: {  	s4 =	simm.s32 $_size__tile_overlayer_lowered;
	s5 =	simm.s32 $_tile_overlayer_lowered  }
0x9b: {  	s22 =	simm.s32 $0x1BFF;
	s21 =	sshll.u32 s5, $0x1;
	s2 =	sadd.s32 s19, s18  }
0x9c: {  	s6 =	simm.s32 $0x0;
	s20 =	sshll.u32 s4, $0x1;
	s4 =	sadd.s32 s21, s2  }
0x9d: {  	[timem:s6], [sflag:s22] =	dma.local [hbm:s4], s20  }
0x9e: {  	_ =	swait.ge [sflag:s22], s20  }
0x9f: {  	s3 =	ssub.s32 $0x0, s20;
	[sflag:s22] =	ssyncset.done $0x0  }
0xa0: {  	[sflag:s22] =	ssyncadd.s32 s3;
	_ =	sdelay $0x1  }
0xa1: {  	s23 =	simm.s32 $0x1B8B  }
0xa2: {  	_ =	swait.ge [sflag:s23], $0x1  }
0xa3: {  	[sflag:s23] =	ssyncset.done $0x0  }
0xa4: {  	s25 =	simm.s32 $0x1B8E;
	s24 =	sld [smem:$0x3FFE];
	[sflag:s23] =	ssyncadd.s32 $0xFFFFFFFF  }
0xa5: {  	s26 =	simm.s32 $execute0_lowered;
	[smem:$0x3FD2] =	sst s25  }
0xa6: {  	s4 =	sshll.u32 s26, $0x1;
	_ =	strace $0x80000049;
	[dreg:$0x1] =	wrdreg $0xFFFFFFFF  }
0xa7: {  	s28 =	simm.s32 $_size_execute0_lowered;
	s2 =	sadd.s32 s2, s4;
	[dreg:$0x0] =	wrdreg $0x0  }
0xa8: {  	s4 =	sshll.u32 s28, $0x1;
	[dreg:$0x2] =	wrdreg s2  }
0xa9: {  	[dreg:$0x3] =	wrdreg s4  }
0xaa: {  	[dreg:$0x4] =	wrdreg $0xC0  }
0xab: {  	_ =	task [dreg:s6], $0x5FFFF  }
0xac: {  	[dreg:$0x1] =	wrdreg $0xFFFFFFFF  }
0xad: {  	[dreg:$0x0] =	wrdreg $0x60  }
0xae: {  	[dreg:$0x2] =	wrdreg s24  }
0xaf: {  	[dreg:$0x3] =	wrdreg $0x160800  }
0xb0: {  	[dreg:$0x4] =	wrdreg $0x9  }
0xb1: {  	_ =	task.clear_ibuf [dreg:s6], $0x5FFFF;
	_ =	strace $0x90000049  }
0xb2: {  	s29 =	simm.s32 $0x9;
	_ =	strace $0x8000004B  }
0xb3: {  	_ =	swait.ge [sflag:s29], $0x1  }
0xb4: {  	[sflag:s29] =	ssyncadd.s32 $0xFFFFFFFF  }
0xb5: {  	_ =	strace $0x9000004B  }
0xb6: {  	_ =	sfence  }
0xb7: {  	s30 =	sld [smem:$0x0];
	_ =	sdelay $0x2  }
0xb8: {  	s31 =	sshll.u32 s1, $0xD;
	s1 =	sshrl.u32 s1, $0x2  }
0xb9: {  	s3 =	sand.u32 $0x4000, s31;
	s1 =	sadd.s32 s1, s30  }
0xba: {  	s0 =	sor.u32 s3, s0;
	s1 =	sshll.u32 s1, $0x11  }
0xbb: {  	s0 =	sor.u32 s1, s0  }
0xbc: {  	s0 =	sadd.s32 $0x8F2B, s0  }
0xbd: {  	[sflag:s0] =	ssyncadd.remote.s32 $0x1  }
0xbe: {  	_ =	sfence.sel $0xFFFF  }
0xbf: {  	[dreg:$0x0] =	wrdreg $0xFFFFFFFF;
	(pc) =	sbr.abs _section_cstart, $3  }
0xc0: {  	[dreg:$0x1] =	wrdreg $0xFFFFFFFF  }
0xc1: {  	_ =	task.clear_ibuf [dreg:s6], $0x2FFFF;
	_ =	strace $0x9FFFFFFF  }
0xc2: {  	(tm) =	ssettm $0x7FFFFFFF  }
0xc3: {  	_ =	shalt  }
tec
execute0_lowered:
.L_overlay_start_1:
0x0: {  	(tag) =	ssettag $0x1  }
0x1: {  	s7 =	rddreg [dreg:$0x0];
	v0 =	vimm.s32 $0x76543210  }
0x2: {  	s0 =	rddreg [dreg:$0x1];
	s1 =	simm.s32 $0x0;
	s3 =	srdreg.scid;
	v1 =	vimm.s32 $0xFEDCBA98;
	v2 =	vimm.s32 $0xBA98FEDC;
	v3 =	vimm.s32 $0x32107654  }
0x3: {  	s2 =	stileid.u32;
	v4 =	vimm.s32 $0xDCFE98BA;
	v5 =	vimm.s32 $0x54761032;
	s14 =	simm.s32 $0x3;
	s15 =	simm.s32 $0xC000  }
0x4: {  	v6 =	vimm.s32 $0xEFCDAB89;
	v7 =	vimm.s32 $0x67452301;
	s16 =	simm.s32 $0x1;
	s17 =	simm.s32 $0x80;
	s18 =	simm.s32 $0x14000  }
0x5: {  	s19 =	simm.s32 $0x2;
	s20 =	simm.s32 $0x0;
	[smem:$0x7FF] =	sst s1;
	v0 =	vunpack.c.l.s4.s8 v0;
	v1 =	vunpack.c.l.s4.s8 v1;
	v2 =	vunpack.c.l.s4.s8 v2  }
0x6: {  	s8 =	sand.u32 $0x1, s3;
	s3 =	rddreg [dreg:$0x2];
	s9 =	sshll.u32 s2, $0xD;
	v3 =	vunpack.c.l.s4.s8 v3;
	v4 =	vunpack.c.l.s4.s8 v4;
	v5 =	vunpack.c.l.s4.s8 v5  }
0x7: {  	s4 =	sadd.s32 $0x80C00, s7;
	s6 =	sadd.s32 $0x100C00, s7;
	s12 =	sshll.u32 s2, $0x11;
	v6 =	vunpack.c.l.s4.s8 v6;
	v7 =	vunpack.c.l.s4.s8 v7;
	v2 =	vunpack.c.0.s8.s32 v2  }
0x8: {  	s5 =	sshll.u32 s8, $0x11;
	_ =	strace $0x8000004A;
	s11 =	ssub.s32 $0x2, s8;
	v3 =	vunpack.c.0.s8.s32 v3;
	v4 =	vunpack.c.0.s8.s32 v4;
	v5 =	vunpack.c.0.s8.s32 v5  }
0x9: {  	s8 =	sshll.u32 s8, $0x15;
	s10 =	sor.u32 s9, s5;
	s29 =	sshrl.u32 s11, $0x1;
	v1 =	vunpack.c.0.s8.s32 v1;
	v6 =	vunpack.c.0.s8.s32 v6;
	v7 =	vunpack.c.0.s8.s32 v7  }
0xa: {  	s5 =	sadd.s32 $0xC00, s7;
	v0 =	vunpack.c.0.s8.s32 v0;
	s10 =	sshrl.u32 s10, $0x3;
	s30 =	ssub.s32 s11, s29;
	v2 =	vcombine.low v3, v2  }
0xb: {  	s13 =	sadd.s32 s10, s7;
	s7 =	sor.u32 s12, s8;
	s8 =	sadd.s32 s9, s0;
	v3 =	vcombine.low v5, v4;
	v1 =	vand.u32 $0xF, v1;
	v4 =	vcombine.low v7, v6  }
0xc: {  	s12 =	smax.u32 s30, $0x1;
	v5 =	vimm.f32 $1.000000000e+00;
	s31 =	sshrl.u32 s7, $0x3;
	s11 =	sadd.s32 $0x101000, s13;
	v0 =	vcombine.low v1, v0;
	v1 =	vand.u32 $0xF, v2  }
0xd: {  	s13 =	simm.s32 $0x14080;
	s9 =	sadd.s32 s5, s31;
	s10 =	sadd.s32 s4, s31;
	v2 =	vand.u32 $0xF, v3;
	v3 =	vand.u32 $0xF, v4;
	v4 =	vimm.f32 $0.0e+00  }
.LBB2_1:
0xe: {  	[tilespmem:s13], [sflag:$0x3] =	stream.linear.gather [hbm4b:s6+s1], $0x2000, $0x38;
	[tilespmem:$0x18080] =	vst v63  }
0xf: {  	_ =	swait.ge [sflag:s14], $0x2000  }
0x10: {  	[sflag:s14] =	ssyncset.done $0x0  }
0x11: {  	[sflag:s14] =	ssyncadd.s32 $0xFFFFE000  }
0x12: {  	v6 =	vld [tilespmem:$0x14080]  }
0x13: {  	v7 =	vld [tilespmem:$0x14100]  }
0x14: {  	v8 =	vld [tilespmem:$0x14180]  }
0x15: {  	v9 =	vld [tilespmem:$0x14200]  }
0x16: {  	v10 =	vld [tilespmem:$0x14280]  }
0x17: {  	v11 =	vld [tilespmem:$0x14300]  }
0x18: {  	v12 =	vld [tilespmem:$0x14380]  }
0x19: {  	v13 =	vld [tilespmem:$0x14400]  }
0x1a: {  	v14 =	vld [tilespmem:$0x14480]  }
0x1b: {  	v15 =	vld [tilespmem:$0x14500]  }
0x1c: {  	v16 =	vld [tilespmem:$0x14580]  }
0x1d: {  	v17 =	vld [tilespmem:$0x14600]  }
0x1e: {  	v18 =	vld [tilespmem:$0x14680]  }
0x1f: {  	v19 =	vld [tilespmem:$0x14700]  }
0x20: {  	v20 =	vld [tilespmem:$0x14780]  }
0x21: {  	v21 =	vld [tilespmem:$0x14800]  }
0x22: {  	v22 =	vld [tilespmem:$0x14880]  }
0x23: {  	v23 =	vld [tilespmem:$0x14900]  }
0x24: {  	v24 =	vld [tilespmem:$0x14980]  }
0x25: {  	v25 =	vld [tilespmem:$0x14A00]  }
0x26: {  	v26 =	vld [tilespmem:$0x14A80]  }
0x27: {  	v27 =	vld [tilespmem:$0x14B00]  }
0x28: {  	v28 =	vld [tilespmem:$0x14B80]  }
0x29: {  	v29 =	vld [tilespmem:$0x14C00]  }
0x2a: {  	v30 =	vld [tilespmem:$0x14C80]  }
0x2b: {  	v31 =	vld [tilespmem:$0x14D00]  }
0x2c: {  	v32 =	vld [tilespmem:$0x14D80]  }
0x2d: {  	v33 =	vld [tilespmem:$0x14E00]  }
0x2e: {  	v34 =	vld [tilespmem:$0x14E80]  }
0x2f: {  	v35 =	vld [tilespmem:$0x14F00]  }
0x30: {  	v36 =	vld [tilespmem:$0x14F80]  }
0x31: {  	v37 =	vld [tilespmem:$0x15000]  }
0x32: {  	v38 =	vld [tilespmem:$0x15080]  }
0x33: {  	v39 =	vld [tilespmem:$0x15100]  }
0x34: {  	v40 =	vld [tilespmem:$0x15180]  }
0x35: {  	v41 =	vld [tilespmem:$0x15200]  }
0x36: {  	v42 =	vld [tilespmem:$0x15280]  }
0x37: {  	v43 =	vld [tilespmem:$0x15300]  }
0x38: {  	v46 =	vld [tilespmem:$0x15580];
	v6 =	vmin.f32 v6, v8;
	v7 =	vmax.f32 v7, v9  }
0x39: {  	v47 =	vld [tilespmem:$0x15600];
	v6 =	vmin.f32 v6, v10;
	v7 =	vmax.f32 v7, v11  }
0x3a: {  	v48 =	vld [tilespmem:$0x15680];
	v6 =	vmin.f32 v6, v12;
	v7 =	vmax.f32 v7, v13  }
0x3b: {  	v49 =	vld [tilespmem:$0x15700];
	v6 =	vmin.f32 v6, v14;
	v7 =	vmax.f32 v7, v15  }
0x3c: {  	v50 =	vld [tilespmem:$0x15780];
	v6 =	vmin.f32 v6, v16;
	v7 =	vmax.f32 v7, v17  }
0x3d: {  	v51 =	vld [tilespmem:$0x15800];
	v6 =	vmin.f32 v6, v18;
	v7 =	vmax.f32 v7, v19  }
0x3e: {  	v52 =	vld [tilespmem:$0x15880];
	v6 =	vmin.f32 v6, v20;
	v7 =	vmax.f32 v7, v21  }
0x3f: {  	v53 =	vld [tilespmem:$0x15900];
	v6 =	vmin.f32 v6, v22;
	v7 =	vmax.f32 v7, v23  }
0x40: {  	v54 =	vld [tilespmem:$0x15980];
	v6 =	vmin.f32 v6, v24;
	v7 =	vmax.f32 v7, v25  }
0x41: {  	v55 =	vld [tilespmem:$0x15A00];
	v6 =	vmin.f32 v6, v26;
	v7 =	vmax.f32 v7, v27  }
0x42: {  	v56 =	vld [tilespmem:$0x15A80];
	v6 =	vmin.f32 v6, v28;
	v7 =	vmax.f32 v7, v29  }
0x43: {  	v8 =	vld [tilespmem:$0x15380];
	v6 =	vmin.f32 v6, v30;
	v7 =	vmax.f32 v7, v31  }
0x44: {  	v9 =	vld [tilespmem:$0x15400];
	v6 =	vmin.f32 v6, v32;
	v7 =	vmax.f32 v7, v33  }
0x45: {  	v10 =	vld [tilespmem:$0x15480];
	v6 =	vmin.f32 v6, v34;
	v7 =	vmax.f32 v7, v35  }
0x46: {  	v11 =	vld [tilespmem:$0x15500];
	v6 =	vmin.f32 v6, v36;
	v7 =	vmax.f32 v7, v37  }
0x47: {  	v57 =	vld [tilespmem:$0x15B00];
	v6 =	vmin.f32 v6, v38;
	v7 =	vmax.f32 v7, v39  }
0x48: {  	v58 =	vld [tilespmem:$0x15B80];
	v6 =	vmin.f32 v6, v40;
	v7 =	vmax.f32 v7, v41  }
0x49: {  	v59 =	vld [tilespmem:$0x15C00];
	v6 =	vmin.f32 v6, v42;
	v7 =	vmax.f32 v7, v43  }
0x4a: {  	v60 =	vld [tilespmem:$0x15E80];
	v6 =	vmin.f32 v6, v8;
	v7 =	vmax.f32 v7, v9  }
0x4b: {  	v61 =	vld [tilespmem:$0x15F00];
	v6 =	vmin.f32 v6, v10;
	v7 =	vmax.f32 v7, v11  }
0x4c: {  	v8 =	vld [tilespmem:$0x15C80];
	v6 =	vmin.f32 v6, v46;
	v7 =	vmax.f32 v7, v47  }
0x4d: {  	v9 =	vld [tilespmem:$0x15D00];
	v6 =	vmin.f32 v6, v48;
	v7 =	vmax.f32 v7, v49  }
0x4e: {  	v10 =	vld [tilespmem:$0x15D80];
	v6 =	vmin.f32 v6, v50;
	v7 =	vmax.f32 v7, v51  }
0x4f: {  	v11 =	vld [tilespmem:$0x15E00];
	v6 =	vmin.f32 v6, v52;
	v7 =	vmax.f32 v7, v53  }
0x50: {  	v62 =	vld [tilespmem:$0x15F80];
	v6 =	vmin.f32 v6, v54;
	v7 =	vmax.f32 v7, v55  }
0x51: {  	v63 =	vld [tilespmem:$0x16000];
	v6 =	vmin.f32 v6, v56;
	v7 =	vmax.f32 v7, v57  }
0x52: {  	v6 =	vmin.f32 v6, v58;
	v7 =	vmax.f32 v7, v59  }
0x53: {  	v6 =	vmin.f32 v6, v8;
	v7 =	vmax.f32 v7, v9  }
0x54: {  	v6 =	vmin.f32 v6, v10;
	v7 =	vmax.f32 v7, v11  }
0x55: {  	v6 =	vmin.f32 v6, v60;
	v7 =	vmax.f32 v7, v61  }
0x56: {  	v6 =	vmin.f32 v6, v62;
	v7 =	vmax.f32 v7, v63  }
0x57: {  	v8 =	vperm.xlane v6, v0;
	v9 =	vperm.xlane v7, v0;
	_ =	sdelay $0x1  }
0x58: {  	v6 =	vmin.f32 v6, v8;
	v7 =	vmax.f32 v7, v9  }
0x59: {  	v8 =	vperm.xlane v6, v1;
	v9 =	vperm.xlane v7, v1;
	_ =	sdelay $0x1  }
0x5a: {  	v6 =	vmin.f32 v6, v8;
	v7 =	vmax.f32 v7, v9  }
0x5b: {  	v8 =	vperm.xlane v6, v2;
	v9 =	vperm.xlane v7, v2;
	_ =	sdelay $0x1  }
0x5c: {  	v6 =	vmin.f32 v6, v8;
	v7 =	vmax.f32 v7, v9  }
0x5d: {  	s21 =	simm.s32 $0x40;
	s22 =	simm.s32 $0x0;
	v8 =	vperm.xlane v6, v3;
	v9 =	vperm.xlane v7, v3  }
.LBB2_2:
0x5e: {  	p0 =	sne.s32 s21, $0x7FC0;
	[tilespmem:s22+$0xC000] =	vst v4;
	s22 =	smov.u32 s21;
	s21 =	sadd.s32 $0x40, s21  }
.Ltmp0:
0x5f: {  	(pc) =	sbr.rel @p0 .LBB2_2-.Ltmp0, $2  }
0x60: {  	_ =	sdelay $0x2  }
0x61: {  	s22 =	sshra.s32 s22, $0x2  }
0x62: {  	v8 =	vmin.f32 v6, v8;
	v6 =	vmax.f32 v7, v9  }
0x63: {  	v7 =	vsub.f32 v6, v8;
	_ =	sdelay $0x1  }
0x64: {  	v7 =	vmax.f32 v7, $1.000000000e-30  }
0x65: {  	(erf) = vrcp.f32 v7;
	_ =	sdelay $0x7  }
0x66: {  	[tilespmem:s22+$0xC000] =	vst v4  }
0x67: {  	[spmem:s8] =	stream.linear.scatter [tilespmem:s15], [sflag:$0x3], $0x2000, $0x38;
	v7 =	vpop (erf);
	[tilespmem:$0x18080] =	vst v63  }
0x68: {  	_ =	swait.ge [sflag:s14], $0x2000  }
0x69: {  	[sflag:s14] =	ssyncset.done $0x0  }
0x6a: {  	[sflag:s14] =	ssyncadd.s32 $0xFFFFE000  }
0x6b: {  	[tilespmem:$0x14000] =	vst v5  }
0x6c: {  	[tilespmem:$0x14010] =	vst v5  }
0x6d: {  	[tilespmem:$0x14020] =	vst v5  }
0x6e: {  	[tilespmem:$0x14030] =	vst v5  }
0x6f: {  	[tilespmem:$0x14040] =	vst v5  }
0x70: {  	[tilespmem:$0x14050] =	vst v5  }
0x71: {  	[tilespmem:$0x14060] =	vst v5  }
0x72: {  	s21 =	simm.s32 $0x0;
	[tilespmem:$0x14070] =	vst v5  }
0x73: {  	[tilespmem:s21], [sflag:$0x1] =	stream.linear.gather [hbm4b:s9+s21], $0x2000, $0x38;
	[tilespmem:$0x18080] =	vst v63  }
0x74: {  	s22 =	simm.s32 $0x6000  }
0x75: {  	[tilespmem:s22], [sflag:$0x1] =	stream.linear.gather [hbm4b:s10+s21], $0x2000, $0x38;
	[tilespmem:$0x18080] =	vst v63  }
0x76: {  	s23 =	simm.s32 $0xE000;
	s24 =	simm.s32 $0x0;
	v7 =	vmul.f32 $6.553500000e+04, v7;
	[bflag:$0x0] =	sbarrier.arrive $0xFFFF  }
.LBB2_4:
0x77: {  	p0 =	seq.s32 s24, $0xF  }
0x78: {  	s25 =	smulhi.u32 $0xAAAAAAAB, s24;
	s26 =	sadd.s32 @!p0 $0x1, s24  }
0x79: {  	s28 =	smul.u32 @!p0 $0xAB, s26  }
0x7a: {  	_ =	swait.ge [sflag:s16], $0x2000  }
0x7b: {  	[sflag:s16] =	ssyncset.done $0x0;
	s25 =	sshrl.u32 s25, $0x1;
	s28 =	sshrl.u32 @!p0 s28, $0x9  }
0x7c: {  	[sflag:s16] =	ssyncadd.s32 $0xFFFFE000;
	s25 =	smul.u32 $0xFFFE8000, s25;
	s28 =	sand.u32 @!p0 $0x7F, s28  }
0x7d: {  	_ =	swait.ge [sflag:s16], $0x2000;
	s28 =	smul.u32 @!p0 $0x3, s28  }
0x7e: {  	s31 =	simm.s32 @!p0 $0x0;
	s30 =	sshll.u32 @!p0 s26, $0xD;
	[sflag:s16] =	ssyncset.done $0x0  }
0x7f: {  	s25 =	sshra.s32 s25, $0x2;
	s26 =	ssub.s32 @!p0 s26, s28;
	s28 =	sadd.s32 @!p0 s7, s30  }
0x80: {  	s29 =	sadd.s32 s25, s22;
	s26 =	sand.u32 @!p0 $0xFF, s26;
	s28 =	sshrl.u32 @!p0 s28, $0x3  }
0x81: {  	[sflag:s16] =	ssyncadd.s32 $0xFFFFE000;
	v8 =	vmov s29;
	s26 =	sshll.u32 @!p0 s26, $0xD;
	s30 =	sadd.s32 @!p0 s5, s28  }
0x82: {  	[tilespmem:s26], [sflag:$0x1] =	stream.linear.gather @!p0 [hbm4b:s30+s31], $0x2000, $0x38;
	[tilespmem:$0x18080] =	vst v63  }
0x83: {  	s29 =	sadd.s32 s25, s21;
	s28 =	sadd.s32 @!p0 s4, s28;
	s26 =	sadd.s32 @!p0 $0x6000, s26  }
0x84: {  	[tilespmem:s26], [sflag:$0x1] =	stream.linear.gather @!p0 [hbm4b:s28+s31], $0x2000, $0x38;
	[tilespmem:$0x18080] =	vst v63  }
0x85: {  	v9 =	vmov s29;
	s26 =	simm.s32 $0x0  }
0x86: {  	v10 =	vld.idx.msk [tilespmem:v8+s26+$0x0 ss:$0x1], $0xffff;
	_ =	sdelay $0x3  }
0x87: {  	v11 =	vld.idx.msk [tilespmem:v9+s26+$0x0 ss:$0x1], $0xffff  }
0x88: {  	v12 =	vadd.f32 v10, v10;
	_ =	sdelay $0x1  }
0x89: {  	v12 =	vadd.f32 $-1.000000000e+00, v12;
	_ =	sdelay $0x1  }
0x8a: {  	v11 =	vmul.f32 v12, v11;
	_ =	sdelay $0x1  }
0x8b: {  	v11 =	vsub.f32 $1.000000000e+00, v11;
	_ =	sdelay $0x1  }
0x8c: {  	v11 =	vsub.f32 v6, v11;
	_ =	sdelay $0x1  }
0x8d: {  	v11 =	vmul.f32 v11, v7;
	_ =	sdelay $0x1  }
0x8e: {  	v50 =	vmul.f32 $6.553600000e+04, v10;
	v11 =	vmax.f32 v11, $0.0e+00  }
0x8f: {  	s25 =	sadd.s32 s25, s23;
	v11 =	vmin.f32 v11, $6.553500000e+04  }
0x90: {  	v10 =	vmov s25;
	v11 =	vadd.f32 v11, v50;
	_ =	sdelay $0x1  }
0x91: {  	v11 =	vtrunc.f32 v11  }
0x92: {  	v11 =	vcvt.f32.s32 v11;
	_ =	sdelay $0x1  }
0x93: {  	[tilespmem:v10+s26+$0x0 ss:$0x1] =	vst.idx.msk $0xffff, v11  }
0x94: {  	v11 =	vld.idx.msk [tilespmem:v8+s26+$0x10 ss:$0x1], $0xffff;
	_ =	sdelay $0x3  }
0x95: {  	v51 =	vld.idx.msk [tilespmem:v9+s26+$0x10 ss:$0x1], $0xffff  }
0x96: {  	v13 =	vadd.f32 v11, v11;
	_ =	sdelay $0x1  }
0x97: {  	v13 =	vadd.f32 $-1.000000000e+00, v13;
	_ =	sdelay $0x1  }
0x98: {  	v12 =	vmul.f32 v13, v51;
	_ =	sdelay $0x1  }
0x99: {  	v12 =	vsub.f32 $1.000000000e+00, v12;
	_ =	sdelay $0x1  }
0x9a: {  	v12 =	vsub.f32 v6, v12;
	_ =	sdelay $0x1  }
0x9b: {  	v12 =	vmul.f32 v12, v7;
	_ =	sdelay $0x1  }
0x9c: {  	v11 =	vmul.f32 $6.553600000e+04, v11;
	v12 =	vmax.f32 v12, $0.0e+00  }
0x9d: {  	v12 =	vmin.f32 v12, $6.553500000e+04  }
0x9e: {  	v11 =	vadd.f32 v12, v11;
	_ =	sdelay $0x1  }
0x9f: {  	v11 =	vtrunc.f32 v11  }
0xa0: {  	v11 =	vcvt.f32.s32 v11;
	_ =	sdelay $0x1  }
0xa1: {  	[tilespmem:v10+s26+$0x10 ss:$0x1] =	vst.idx.msk $0xffff, v11  }
0xa2: {  	v11 =	vld.idx.msk [tilespmem:v8+s26+$0x20 ss:$0x1], $0xffff;
	_ =	sdelay $0x3  }
0xa3: {  	v52 =	vld.idx.msk [tilespmem:v9+s26+$0x20 ss:$0x1], $0xffff  }
0xa4: {  	v53 =	vadd.f32 v11, v11;
	_ =	sdelay $0x1  }
0xa5: {  	v13 =	vadd.f32 $-1.000000000e+00, v53;
	_ =	sdelay $0x1  }
0xa6: {  	v12 =	vmul.f32 v13, v52;
	_ =	sdelay $0x1  }
0xa7: {  	v12 =	vsub.f32 $1.000000000e+00, v12;
	_ =	sdelay $0x1  }
0xa8: {  	v12 =	vsub.f32 v6, v12;
	_ =	sdelay $0x1  }
0xa9: {  	v12 =	vmul.f32 v12, v7;
	_ =	sdelay $0x1  }
0xaa: {  	v11 =	vmul.f32 $6.553600000e+04, v11;
	v12 =	vmax.f32 v12, $0.0e+00  }
0xab: {  	v12 =	vmin.f32 v12, $6.553500000e+04  }
0xac: {  	v11 =	vadd.f32 v12, v11;
	_ =	sdelay $0x1  }
0xad: {  	v11 =	vtrunc.f32 v11  }
0xae: {  	v11 =	vcvt.f32.s32 v11;
	_ =	sdelay $0x1  }
0xaf: {  	[tilespmem:v10+s26+$0x20 ss:$0x1] =	vst.idx.msk $0xffff, v11  }
0xb0: {  	v11 =	vld.idx.msk [tilespmem:v8+s26+$0x30 ss:$0x1], $0xffff;
	_ =	sdelay $0x3  }
0xb1: {  	v54 =	vld.idx.msk [tilespmem:v9+s26+$0x30 ss:$0x1], $0xffff  }
0xb2: {  	v55 =	vadd.f32 v11, v11;
	_ =	sdelay $0x1  }
0xb3: {  	v13 =	vadd.f32 $-1.000000000e+00, v55;
	_ =	sdelay $0x1  }
0xb4: {  	v12 =	vmul.f32 v13, v54;
	_ =	sdelay $0x1  }
0xb5: {  	v12 =	vsub.f32 $1.000000000e+00, v12;
	_ =	sdelay $0x1  }
0xb6: {  	v12 =	vsub.f32 v6, v12;
	_ =	sdelay $0x1  }
0xb7: {  	v12 =	vmul.f32 v12, v7;
	_ =	sdelay $0x1  }
0xb8: {  	v11 =	vmul.f32 $6.553600000e+04, v11;
	v12 =	vmax.f32 v12, $0.0e+00  }
0xb9: {  	v12 =	vmin.f32 v12, $6.553500000e+04  }
0xba: {  	v11 =	vadd.f32 v12, v11;
	_ =	sdelay $0x1  }
0xbb: {  	v11 =	vtrunc.f32 v11  }
0xbc: {  	v11 =	vcvt.f32.s32 v11;
	_ =	sdelay $0x1  }
0xbd: {  	[tilespmem:v10+s26+$0x30 ss:$0x1] =	vst.idx.msk $0xffff, v11  }
0xbe: {  	v11 =	vld.idx.msk [tilespmem:v8+s26+$0x40 ss:$0x1], $0xffff;
	_ =	sdelay $0x3  }
0xbf: {  	v56 =	vld.idx.msk [tilespmem:v9+s26+$0x40 ss:$0x1], $0xffff  }
0xc0: {  	v57 =	vadd.f32 v11, v11;
	_ =	sdelay $0x1  }
0xc1: {  	v13 =	vadd.f32 $-1.000000000e+00, v57;
	_ =	sdelay $0x1  }
0xc2: {  	v12 =	vmul.f32 v13, v56;
	_ =	sdelay $0x1  }
0xc3: {  	v12 =	vsub.f32 $1.000000000e+00, v12;
	_ =	sdelay $0x1  }
0xc4: {  	v12 =	vsub.f32 v6, v12;
	_ =	sdelay $0x1  }
0xc5: {  	v12 =	vmul.f32 v12, v7;
	_ =	sdelay $0x1  }
0xc6: {  	v11 =	vmul.f32 $6.553600000e+04, v11;
	v12 =	vmax.f32 v12, $0.0e+00  }
0xc7: {  	v12 =	vmin.f32 v12, $6.553500000e+04  }
0xc8: {  	v11 =	vadd.f32 v12, v11;
	_ =	sdelay $0x1  }
0xc9: {  	v11 =	vtrunc.f32 v11  }
0xca: {  	v11 =	vcvt.f32.s32 v11;
	_ =	sdelay $0x1  }
0xcb: {  	[tilespmem:v10+s26+$0x40 ss:$0x1] =	vst.idx.msk $0xffff, v11  }
0xcc: {  	v11 =	vld.idx.msk [tilespmem:v8+s26+$0x50 ss:$0x1], $0xffff;
	_ =	sdelay $0x3  }
0xcd: {  	v58 =	vld.idx.msk [tilespmem:v9+s26+$0x50 ss:$0x1], $0xffff  }
0xce: {  	v59 =	vadd.f32 v11, v11;
	_ =	sdelay $0x1  }
0xcf: {  	v13 =	vadd.f32 $-1.000000000e+00, v59;
	_ =	sdelay $0x1  }
0xd0: {  	v12 =	vmul.f32 v13, v58;
	_ =	sdelay $0x1  }
0xd1: {  	v12 =	vsub.f32 $1.000000000e+00, v12;
	_ =	sdelay $0x1  }
0xd2: {  	v12 =	vsub.f32 v6, v12;
	_ =	sdelay $0x1  }
0xd3: {  	v12 =	vmul.f32 v12, v7;
	_ =	sdelay $0x1  }
0xd4: {  	v11 =	vmul.f32 $6.553600000e+04, v11;
	v12 =	vmax.f32 v12, $0.0e+00  }
0xd5: {  	v12 =	vmin.f32 v12, $6.553500000e+04  }
0xd6: {  	v11 =	vadd.f32 v12, v11;
	_ =	sdelay $0x1  }
0xd7: {  	v11 =	vtrunc.f32 v11  }
0xd8: {  	v11 =	vcvt.f32.s32 v11;
	_ =	sdelay $0x1  }
0xd9: {  	[tilespmem:v10+s26+$0x50 ss:$0x1] =	vst.idx.msk $0xffff, v11  }
0xda: {  	v11 =	vld.idx.msk [tilespmem:v8+s26+$0x60 ss:$0x1], $0xffff;
	_ =	sdelay $0x3  }
0xdb: {  	v60 =	vld.idx.msk [tilespmem:v9+s26+$0x60 ss:$0x1], $0xffff  }
0xdc: {  	v61 =	vadd.f32 v11, v11;
	_ =	sdelay $0x1  }
0xdd: {  	v13 =	vadd.f32 $-1.000000000e+00, v61;
	_ =	sdelay $0x1  }
0xde: {  	v12 =	vmul.f32 v13, v60;
	_ =	sdelay $0x1  }
0xdf: {  	v12 =	vsub.f32 $1.000000000e+00, v12;
	_ =	sdelay $0x1  }
0xe0: {  	v12 =	vsub.f32 v6, v12;
	_ =	sdelay $0x1  }
0xe1: {  	v12 =	vmul.f32 v12, v7;
	_ =	sdelay $0x1  }
0xe2: {  	v11 =	vmul.f32 $6.553600000e+04, v11;
	v12 =	vmax.f32 v12, $0.0e+00  }
0xe3: {  	v12 =	vmin.f32 v12, $6.553500000e+04  }
0xe4: {  	v11 =	vadd.f32 v12, v11;
	_ =	sdelay $0x1  }
0xe5: {  	v11 =	vtrunc.f32 v11  }
0xe6: {  	v11 =	vcvt.f32.s32 v11;
	_ =	sdelay $0x1  }
0xe7: {  	[tilespmem:v10+s26+$0x60 ss:$0x1] =	vst.idx.msk $0xffff, v11  }
0xe8: {  	v11 =	vld.idx.msk [tilespmem:v8+s26+$0x70 ss:$0x1], $0xffff;
	_ =	sdelay $0x3  }
0xe9: {  	v62 =	vld.idx.msk [tilespmem:v9+s26+$0x70 ss:$0x1], $0xffff  }
0xea: {  	v63 =	vadd.f32 v11, v11;
	_ =	sdelay $0x1  }
0xeb: {  	v13 =	vadd.f32 $-1.000000000e+00, v63;
	_ =	sdelay $0x1  }
0xec: {  	v12 =	vmul.f32 v13, v62;
	_ =	sdelay $0x1  }
0xed: {  	v12 =	vsub.f32 $1.000000000e+00, v12;
	_ =	sdelay $0x1  }
0xee: {  	v12 =	vsub.f32 v6, v12;
	_ =	sdelay $0x1  }
0xef: {  	v12 =	vmul.f32 v12, v7;
	_ =	sdelay $0x1  }
0xf0: {  	v11 =	vmul.f32 $6.553600000e+04, v11;
	v12 =	vmax.f32 v12, $0.0e+00  }
0xf1: {  	v12 =	vmin.f32 v12, $6.553500000e+04  }
0xf2: {  	v11 =	vadd.f32 v12, v11;
	_ =	sdelay $0x1  }
0xf3: {  	v11 =	vtrunc.f32 v11  }
0xf4: {  	s29 =	simm.s32 $0x400;
	s28 =	simm.s32 $0x200;
	v11 =	vcvt.f32.s32 v11  }
.LBB2_5:
0xf5: {  	p0 =	sne.s32 s29, $0x7E00  }
0xf6: {  	[tilespmem:v10+s26+$0x70 ss:$0x1] =	vst.idx.msk $0xffff, v11;
	s26 =	sshra.s32 s28, $0x2;
	s28 =	smov.u32 s29;
	s29 =	sadd.s32 $0x200, s29  }
0xf7: {  	v11 =	vld.idx.msk [tilespmem:v8+s26+$0x0 ss:$0x1], $0xffff;
	_ =	sdelay $0x3  }
0xf8: {  	v12 =	vld.idx.msk [tilespmem:v9+s26+$0x0 ss:$0x1], $0xffff;
	_ =	sdelay $0x1  }
0xf9: {  	v13 =	vadd.f32 v11, v11;
	_ =	sdelay $0x1  }
0xfa: {  	v13 =	vadd.f32 $-1.000000000e+00, v13;
	_ =	sdelay $0x1  }
0xfb: {  	v12 =	vmul.f32 v13, v12;
	_ =	sdelay $0x1  }
0xfc: {  	v12 =	vsub.f32 $1.000000000e+00, v12;
	_ =	sdelay $0x1  }
0xfd: {  	v12 =	vsub.f32 v6, v12;
	_ =	sdelay $0x1  }
0xfe: {  	v12 =	vmul.f32 v12, v7;
	_ =	sdelay $0x1  }
0xff: {  	v11 =	vmul.f32 $6.553600000e+04, v11;
	v12 =	vmax.f32 v12, $0.0e+00  }
0x100: {  	v12 =	vmin.f32 v12, $6.553500000e+04  }
0x101: {  	v11 =	vadd.f32 v12, v11;
	_ =	sdelay $0x1  }
0x102: {  	v11 =	vtrunc.f32 v11  }
0x103: {  	v11 =	vcvt.f32.s32 v11;
	_ =	sdelay $0x1  }
0x104: {  	[tilespmem:v10+s26+$0x0 ss:$0x1] =	vst.idx.msk $0xffff, v11  }
0x105: {  	v11 =	vld.idx.msk [tilespmem:v8+s26+$0x10 ss:$0x1], $0xffff;
	_ =	sdelay $0x3  }
0x106: {  	v12 =	vld.idx.msk [tilespmem:v9+s26+$0x10 ss:$0x1], $0xffff;
	_ =	sdelay $0x1  }
0x107: {  	v13 =	vadd.f32 v11, v11;
	_ =	sdelay $0x1  }
0x108: {  	v13 =	vadd.f32 $-1.000000000e+00, v13;
	_ =	sdelay $0x1  }
0x109: {  	v12 =	vmul.f32 v13, v12;
	_ =	sdelay $0x1  }
0x10a: {  	v12 =	vsub.f32 $1.000000000e+00, v12;
	_ =	sdelay $0x1  }
0x10b: {  	v12 =	vsub.f32 v6, v12;
	_ =	sdelay $0x1  }
0x10c: {  	v12 =	vmul.f32 v12, v7;
	_ =	sdelay $0x1  }
0x10d: {  	v11 =	vmul.f32 $6.553600000e+04, v11;
	v12 =	vmax.f32 v12, $0.0e+00  }
0x10e: {  	v12 =	vmin.f32 v12, $6.553500000e+04  }
0x10f: {  	v11 =	vadd.f32 v12, v11;
	_ =	sdelay $0x1  }
0x110: {  	v11 =	vtrunc.f32 v11  }
0x111: {  	v11 =	vcvt.f32.s32 v11;
	_ =	sdelay $0x1  }
0x112: {  	[tilespmem:v10+s26+$0x10 ss:$0x1] =	vst.idx.msk $0xffff, v11  }
0x113: {  	v11 =	vld.idx.msk [tilespmem:v8+s26+$0x20 ss:$0x1], $0xffff;
	_ =	sdelay $0x3  }
0x114: {  	v12 =	vld.idx.msk [tilespmem:v9+s26+$0x20 ss:$0x1], $0xffff;
	_ =	sdelay $0x1  }
0x115: {  	v13 =	vadd.f32 v11, v11;
	_ =	sdelay $0x1  }
0x116: {  	v13 =	vadd.f32 $-1.000000000e+00, v13;
	_ =	sdelay $0x1  }
0x117: {  	v12 =	vmul.f32 v13, v12;
	_ =	sdelay $0x1  }
0x118: {  	v12 =	vsub.f32 $1.000000000e+00, v12;
	_ =	sdelay $0x1  }
0x119: {  	v12 =	vsub.f32 v6, v12;
	_ =	sdelay $0x1  }
0x11a: {  	v12 =	vmul.f32 v12, v7;
	_ =	sdelay $0x1  }
0x11b: {  	v11 =	vmul.f32 $6.553600000e+04, v11;
	v12 =	vmax.f32 v12, $0.0e+00  }
0x11c: {  	v12 =	vmin.f32 v12, $6.553500000e+04  }
0x11d: {  	v11 =	vadd.f32 v12, v11;
	_ =	sdelay $0x1  }
0x11e: {  	v11 =	vtrunc.f32 v11  }
0x11f: {  	v11 =	vcvt.f32.s32 v11;
	_ =	sdelay $0x1  }
0x120: {  	[tilespmem:v10+s26+$0x20 ss:$0x1] =	vst.idx.msk $0xffff, v11  }
0x121: {  	v11 =	vld.idx.msk [tilespmem:v8+s26+$0x30 ss:$0x1], $0xffff;
	_ =	sdelay $0x3  }
0x122: {  	v12 =	vld.idx.msk [tilespmem:v9+s26+$0x30 ss:$0x1], $0xffff;
	_ =	sdelay $0x1  }
0x123: {  	v13 =	vadd.f32 v11, v11;
	_ =	sdelay $0x1  }
0x124: {  	v13 =	vadd.f32 $-1.000000000e+00, v13;
	_ =	sdelay $0x1  }
0x125: {  	v12 =	vmul.f32 v13, v12;
	_ =	sdelay $0x1  }
0x126: {  	v12 =	vsub.f32 $1.000000000e+00, v12;
	_ =	sdelay $0x1  }
0x127: {  	v12 =	vsub.f32 v6, v12;
	_ =	sdelay $0x1  }
0x128: {  	v12 =	vmul.f32 v12, v7;
	_ =	sdelay $0x1  }
0x129: {  	v11 =	vmul.f32 $6.553600000e+04, v11;
	v12 =	vmax.f32 v12, $0.0e+00  }
0x12a: {  	v12 =	vmin.f32 v12, $6.553500000e+04  }
0x12b: {  	v11 =	vadd.f32 v12, v11;
	_ =	sdelay $0x1  }
0x12c: {  	v11 =	vtrunc.f32 v11  }
0x12d: {  	v11 =	vcvt.f32.s32 v11;
	_ =	sdelay $0x1  }
0x12e: {  	[tilespmem:v10+s26+$0x30 ss:$0x1] =	vst.idx.msk $0xffff, v11  }
0x12f: {  	v11 =	vld.idx.msk [tilespmem:v8+s26+$0x40 ss:$0x1], $0xffff;
	_ =	sdelay $0x3  }
0x130: {  	v12 =	vld.idx.msk [tilespmem:v9+s26+$0x40 ss:$0x1], $0xffff;
	_ =	sdelay $0x1  }
0x131: {  	v13 =	vadd.f32 v11, v11;
	_ =	sdelay $0x1  }
0x132: {  	v13 =	vadd.f32 $-1.000000000e+00, v13;
	_ =	sdelay $0x1  }
0x133: {  	v12 =	vmul.f32 v13, v12;
	_ =	sdelay $0x1  }
0x134: {  	v12 =	vsub.f32 $1.000000000e+00, v12;
	_ =	sdelay $0x1  }
0x135: {  	v12 =	vsub.f32 v6, v12;
	_ =	sdelay $0x1  }
0x136: {  	v12 =	vmul.f32 v12, v7;
	_ =	sdelay $0x1  }
0x137: {  	v11 =	vmul.f32 $6.553600000e+04, v11;
	v12 =	vmax.f32 v12, $0.0e+00  }
0x138: {  	v12 =	vmin.f32 v12, $6.553500000e+04  }
0x139: {  	v11 =	vadd.f32 v12, v11;
	_ =	sdelay $0x1  }
0x13a: {  	v11 =	vtrunc.f32 v11  }
0x13b: {  	v11 =	vcvt.f32.s32 v11;
	_ =	sdelay $0x1  }
0x13c: {  	[tilespmem:v10+s26+$0x40 ss:$0x1] =	vst.idx.msk $0xffff, v11  }
0x13d: {  	v11 =	vld.idx.msk [tilespmem:v8+s26+$0x50 ss:$0x1], $0xffff  }
0x13e: {  	v12 =	vld.idx.msk [tilespmem:v9+s26+$0x50 ss:$0x1], $0xffff;
	_ =	sdelay $0x4  }
0x13f: {  	v13 =	vadd.f32 v11, v11;
	_ =	sdelay $0x1  }
0x140: {  	v13 =	vadd.f32 $-1.000000000e+00, v13;
	_ =	sdelay $0x1  }
0x141: {  	v12 =	vmul.f32 v13, v12;
	_ =	sdelay $0x1  }
0x142: {  	v12 =	vsub.f32 $1.000000000e+00, v12;
	_ =	sdelay $0x1  }
0x143: {  	v12 =	vsub.f32 v6, v12;
	_ =	sdelay $0x1  }
0x144: {  	v12 =	vmul.f32 v12, v7;
	_ =	sdelay $0x1  }
0x145: {  	v11 =	vmul.f32 $6.553600000e+04, v11;
	v12 =	vmax.f32 v12, $0.0e+00  }
0x146: {  	v12 =	vmin.f32 v12, $6.553500000e+04  }
0x147: {  	v11 =	vadd.f32 v12, v11;
	_ =	sdelay $0x1  }
0x148: {  	v11 =	vtrunc.f32 v11  }
0x149: {  	v11 =	vcvt.f32.s32 v11;
	_ =	sdelay $0x1  }
0x14a: {  	[tilespmem:v10+s26+$0x50 ss:$0x1] =	vst.idx.msk $0xffff, v11  }
0x14b: {  	v11 =	vld.idx.msk [tilespmem:v8+s26+$0x60 ss:$0x1], $0xffff  }
0x14c: {  	v12 =	vld.idx.msk [tilespmem:v9+s26+$0x60 ss:$0x1], $0xffff;
	_ =	sdelay $0x4  }
0x14d: {  	v13 =	vadd.f32 v11, v11;
	_ =	sdelay $0x1  }
0x14e: {  	v13 =	vadd.f32 $-1.000000000e+00, v13;
	_ =	sdelay $0x1  }
0x14f: {  	v12 =	vmul.f32 v13, v12;
	_ =	sdelay $0x1  }
0x150: {  	v12 =	vsub.f32 $1.000000000e+00, v12;
	_ =	sdelay $0x1  }
0x151: {  	v12 =	vsub.f32 v6, v12;
	_ =	sdelay $0x1  }
0x152: {  	v12 =	vmul.f32 v12, v7;
	_ =	sdelay $0x1  }
0x153: {  	v11 =	vmul.f32 $6.553600000e+04, v11;
	v12 =	vmax.f32 v12, $0.0e+00  }
0x154: {  	v12 =	vmin.f32 v12, $6.553500000e+04  }
0x155: {  	v11 =	vadd.f32 v12, v11;
	_ =	sdelay $0x1  }
0x156: {  	v11 =	vtrunc.f32 v11  }
0x157: {  	v11 =	vcvt.f32.s32 v11;
	_ =	sdelay $0x1  }
0x158: {  	[tilespmem:v10+s26+$0x60 ss:$0x1] =	vst.idx.msk $0xffff, v11  }
0x159: {  	v11 =	vld.idx.msk [tilespmem:v8+s26+$0x70 ss:$0x1], $0xffff  }
0x15a: {  	v12 =	vld.idx.msk [tilespmem:v9+s26+$0x70 ss:$0x1], $0xffff;
	_ =	sdelay $0x4  }
0x15b: {  	v13 =	vadd.f32 v11, v11;
	_ =	sdelay $0x1  }
0x15c: {  	v13 =	vadd.f32 $-1.000000000e+00, v13;
	_ =	sdelay $0x1  }
0x15d: {  	v12 =	vmul.f32 v13, v12;
	_ =	sdelay $0x1  }
0x15e: {  	v12 =	vsub.f32 $1.000000000e+00, v12;
	_ =	sdelay $0x1  }
0x15f: {  	v12 =	vsub.f32 v6, v12;
	_ =	sdelay $0x1  }
0x160: {  	v12 =	vmul.f32 v12, v7;
	_ =	sdelay $0x1  }
0x161: {  	v11 =	vmul.f32 $6.553600000e+04, v11;
	v12 =	vmax.f32 v12, $0.0e+00  }
.Ltmp1:
0x162: {  	v12 =	vmin.f32 v12, $6.553500000e+04;
	(pc) =	sbr.rel @p0 .LBB2_5-.Ltmp1, $3  }
0x163: {  	v11 =	vadd.f32 v12, v11;
	_ =	sdelay $0x1  }
0x164: {  	v11 =	vtrunc.f32 v11  }
0x165: {  	v11 =	vcvt.f32.s32 v11  }
0x166: {  	_ =	sdelay $0x3  }
0x167: {  	s28 =	sshra.s32 s28, $0x2;
	[tilespmem:v10+s26+$0x70 ss:$0x1] =	vst.idx.msk $0xffff, v11  }
0x168: {  	v11 =	vld.idx.msk [tilespmem:v8+s28+$0x0 ss:$0x1], $0xffff;
	_ =	sdelay $0x3  }
0x169: {  	v12 =	vld.idx.msk [tilespmem:v9+s28+$0x0 ss:$0x1], $0xffff  }
0x16a: {  	v13 =	vadd.f32 v11, v11;
	_ =	sdelay $0x1  }
0x16b: {  	v13 =	vadd.f32 $-1.000000000e+00, v13;
	_ =	sdelay $0x1  }
0x16c: {  	v12 =	vmul.f32 v13, v12;
	_ =	sdelay $0x1  }
0x16d: {  	v12 =	vsub.f32 $1.000000000e+00, v12;
	_ =	sdelay $0x1  }
0x16e: {  	v12 =	vsub.f32 v6, v12;
	_ =	sdelay $0x1  }
0x16f: {  	v12 =	vmul.f32 v12, v7;
	_ =	sdelay $0x1  }
0x170: {  	v11 =	vmul.f32 $6.553600000e+04, v11;
	v12 =	vmax.f32 v12, $0.0e+00  }
0x171: {  	v12 =	vmin.f32 v12, $6.553500000e+04  }
0x172: {  	v11 =	vadd.f32 v12, v11;
	_ =	sdelay $0x1  }
0x173: {  	v11 =	vtrunc.f32 v11  }
0x174: {  	v11 =	vcvt.f32.s32 v11;
	_ =	sdelay $0x1  }
0x175: {  	[tilespmem:v10+s28+$0x0 ss:$0x1] =	vst.idx.msk $0xffff, v11  }
0x176: {  	v11 =	vld.idx.msk [tilespmem:v8+s28+$0x10 ss:$0x1], $0xffff;
	_ =	sdelay $0x3  }
0x177: {  	v50 =	vld.idx.msk [tilespmem:v9+s28+$0x10 ss:$0x1], $0xffff  }
0x178: {  	v51 =	vadd.f32 v11, v11;
	_ =	sdelay $0x1  }
0x179: {  	v13 =	vadd.f32 $-1.000000000e+00, v51;
	_ =	sdelay $0x1  }
0x17a: {  	v12 =	vmul.f32 v13, v50;
	_ =	sdelay $0x1  }
0x17b: {  	v12 =	vsub.f32 $1.000000000e+00, v12;
	_ =	sdelay $0x1  }
0x17c: {  	v12 =	vsub.f32 v6, v12;
	_ =	sdelay $0x1  }
0x17d: {  	v12 =	vmul.f32 v12, v7;
	_ =	sdelay $0x1  }
0x17e: {  	v11 =	vmul.f32 $6.553600000e+04, v11;
	v12 =	vmax.f32 v12, $0.0e+00  }
0x17f: {  	v12 =	vmin.f32 v12, $6.553500000e+04  }
0x180: {  	v11 =	vadd.f32 v12, v11;
	_ =	sdelay $0x1  }
0x181: {  	v11 =	vtrunc.f32 v11  }
0x182: {  	v11 =	vcvt.f32.s32 v11;
	_ =	sdelay $0x1  }
0x183: {  	[tilespmem:v10+s28+$0x10 ss:$0x1] =	vst.idx.msk $0xffff, v11  }
0x184: {  	v11 =	vld.idx.msk [tilespmem:v8+s28+$0x20 ss:$0x1], $0xffff;
	_ =	sdelay $0x3  }
0x185: {  	v52 =	vld.idx.msk [tilespmem:v9+s28+$0x20 ss:$0x1], $0xffff  }
0x186: {  	v53 =	vadd.f32 v11, v11;
	_ =	sdelay $0x1  }
0x187: {  	v13 =	vadd.f32 $-1.000000000e+00, v53;
	_ =	sdelay $0x1  }
0x188: {  	v12 =	vmul.f32 v13, v52;
	_ =	sdelay $0x1  }
0x189: {  	v12 =	vsub.f32 $1.000000000e+00, v12;
	_ =	sdelay $0x1  }
0x18a: {  	v12 =	vsub.f32 v6, v12;
	_ =	sdelay $0x1  }
0x18b: {  	v12 =	vmul.f32 v12, v7;
	_ =	sdelay $0x1  }
0x18c: {  	v11 =	vmul.f32 $6.553600000e+04, v11;
	v12 =	vmax.f32 v12, $0.0e+00  }
0x18d: {  	v12 =	vmin.f32 v12, $6.553500000e+04  }
0x18e: {  	v11 =	vadd.f32 v12, v11;
	_ =	sdelay $0x1  }
0x18f: {  	v11 =	vtrunc.f32 v11  }
0x190: {  	v11 =	vcvt.f32.s32 v11;
	_ =	sdelay $0x1  }
0x191: {  	[tilespmem:v10+s28+$0x20 ss:$0x1] =	vst.idx.msk $0xffff, v11  }
0x192: {  	v11 =	vld.idx.msk [tilespmem:v8+s28+$0x30 ss:$0x1], $0xffff;
	_ =	sdelay $0x3  }
0x193: {  	v54 =	vld.idx.msk [tilespmem:v9+s28+$0x30 ss:$0x1], $0xffff  }
0x194: {  	v55 =	vadd.f32 v11, v11;
	_ =	sdelay $0x1  }
0x195: {  	v13 =	vadd.f32 $-1.000000000e+00, v55;
	_ =	sdelay $0x1  }
0x196: {  	v12 =	vmul.f32 v13, v54;
	_ =	sdelay $0x1  }
0x197: {  	v12 =	vsub.f32 $1.000000000e+00, v12;
	_ =	sdelay $0x1  }
0x198: {  	v12 =	vsub.f32 v6, v12;
	_ =	sdelay $0x1  }
0x199: {  	v12 =	vmul.f32 v12, v7;
	_ =	sdelay $0x1  }
0x19a: {  	v11 =	vmul.f32 $6.553600000e+04, v11;
	v12 =	vmax.f32 v12, $0.0e+00  }
0x19b: {  	v12 =	vmin.f32 v12, $6.553500000e+04  }
0x19c: {  	v11 =	vadd.f32 v12, v11;
	_ =	sdelay $0x1  }
0x19d: {  	v11 =	vtrunc.f32 v11  }
0x19e: {  	v11 =	vcvt.f32.s32 v11;
	_ =	sdelay $0x1  }
0x19f: {  	[tilespmem:v10+s28+$0x30 ss:$0x1] =	vst.idx.msk $0xffff, v11  }
0x1a0: {  	v11 =	vld.idx.msk [tilespmem:v8+s28+$0x40 ss:$0x1], $0xffff;
	_ =	sdelay $0x3  }
0x1a1: {  	v56 =	vld.idx.msk [tilespmem:v9+s28+$0x40 ss:$0x1], $0xffff  }
0x1a2: {  	v57 =	vadd.f32 v11, v11;
	_ =	sdelay $0x1  }
0x1a3: {  	v13 =	vadd.f32 $-1.000000000e+00, v57;
	_ =	sdelay $0x1  }
0x1a4: {  	v12 =	vmul.f32 v13, v56;
	_ =	sdelay $0x1  }
0x1a5: {  	v12 =	vsub.f32 $1.000000000e+00, v12;
	_ =	sdelay $0x1  }
0x1a6: {  	v12 =	vsub.f32 v6, v12;
	_ =	sdelay $0x1  }
0x1a7: {  	v12 =	vmul.f32 v12, v7;
	_ =	sdelay $0x1  }
0x1a8: {  	v11 =	vmul.f32 $6.553600000e+04, v11;
	v12 =	vmax.f32 v12, $0.0e+00  }
0x1a9: {  	v12 =	vmin.f32 v12, $6.553500000e+04  }
0x1aa: {  	v11 =	vadd.f32 v12, v11;
	_ =	sdelay $0x1  }
0x1ab: {  	v11 =	vtrunc.f32 v11  }
0x1ac: {  	v11 =	vcvt.f32.s32 v11;
	_ =	sdelay $0x1  }
0x1ad: {  	[tilespmem:v10+s28+$0x40 ss:$0x1] =	vst.idx.msk $0xffff, v11  }
0x1ae: {  	v11 =	vld.idx.msk [tilespmem:v8+s28+$0x50 ss:$0x1], $0xffff;
	_ =	sdelay $0x3  }
0x1af: {  	v58 =	vld.idx.msk [tilespmem:v9+s28+$0x50 ss:$0x1], $0xffff  }
0x1b0: {  	v59 =	vadd.f32 v11, v11;
	_ =	sdelay $0x1  }
0x1b1: {  	v13 =	vadd.f32 $-1.000000000e+00, v59;
	_ =	sdelay $0x1  }
0x1b2: {  	v12 =	vmul.f32 v13, v58;
	_ =	sdelay $0x1  }
0x1b3: {  	v12 =	vsub.f32 $1.000000000e+00, v12;
	_ =	sdelay $0x1  }
0x1b4: {  	v12 =	vsub.f32 v6, v12;
	_ =	sdelay $0x1  }
0x1b5: {  	v12 =	vmul.f32 v12, v7;
	_ =	sdelay $0x1  }
0x1b6: {  	v11 =	vmul.f32 $6.553600000e+04, v11;
	v12 =	vmax.f32 v12, $0.0e+00  }
0x1b7: {  	v12 =	vmin.f32 v12, $6.553500000e+04  }
0x1b8: {  	v11 =	vadd.f32 v12, v11;
	_ =	sdelay $0x1  }
0x1b9: {  	v11 =	vtrunc.f32 v11  }
0x1ba: {  	v11 =	vcvt.f32.s32 v11;
	_ =	sdelay $0x1  }
0x1bb: {  	[tilespmem:v10+s28+$0x50 ss:$0x1] =	vst.idx.msk $0xffff, v11  }
0x1bc: {  	v11 =	vld.idx.msk [tilespmem:v8+s28+$0x60 ss:$0x1], $0xffff;
	_ =	sdelay $0x3  }
0x1bd: {  	v60 =	vld.idx.msk [tilespmem:v9+s28+$0x60 ss:$0x1], $0xffff  }
0x1be: {  	v61 =	vadd.f32 v11, v11;
	_ =	sdelay $0x1  }
0x1bf: {  	v13 =	vadd.f32 $-1.000000000e+00, v61;
	_ =	sdelay $0x1  }
0x1c0: {  	v12 =	vmul.f32 v13, v60;
	_ =	sdelay $0x1  }
0x1c1: {  	v12 =	vsub.f32 $1.000000000e+00, v12;
	_ =	sdelay $0x1  }
0x1c2: {  	v12 =	vsub.f32 v6, v12;
	_ =	sdelay $0x1  }
0x1c3: {  	v12 =	vmul.f32 v12, v7;
	_ =	sdelay $0x1  }
0x1c4: {  	v11 =	vmul.f32 $6.553600000e+04, v11;
	v12 =	vmax.f32 v12, $0.0e+00  }
0x1c5: {  	v12 =	vmin.f32 v12, $6.553500000e+04  }
0x1c6: {  	v11 =	vadd.f32 v12, v11;
	_ =	sdelay $0x1  }
0x1c7: {  	v11 =	vtrunc.f32 v11  }
0x1c8: {  	v11 =	vcvt.f32.s32 v11;
	_ =	sdelay $0x1  }
0x1c9: {  	[tilespmem:v10+s28+$0x60 ss:$0x1] =	vst.idx.msk $0xffff, v11  }
0x1ca: {  	v8 =	vld.idx.msk [tilespmem:v8+s28+$0x70 ss:$0x1], $0xffff;
	_ =	sdelay $0x3  }
0x1cb: {  	v62 =	vld.idx.msk [tilespmem:v9+s28+$0x70 ss:$0x1], $0xffff  }
0x1cc: {  	v63 =	vadd.f32 v8, v8;
	_ =	sdelay $0x1  }
0x1cd: {  	v11 =	vadd.f32 $-1.000000000e+00, v63;
	_ =	sdelay $0x1  }
0x1ce: {  	v9 =	vmul.f32 v11, v62;
	_ =	sdelay $0x1  }
0x1cf: {  	v9 =	vsub.f32 $1.000000000e+00, v9;
	_ =	sdelay $0x1  }
0x1d0: {  	v9 =	vsub.f32 v6, v9;
	_ =	sdelay $0x1  }
0x1d1: {  	v9 =	vmul.f32 v9, v7;
	_ =	sdelay $0x1  }
0x1d2: {  	v8 =	vmul.f32 $6.553600000e+04, v8;
	v9 =	vmax.f32 v9, $0.0e+00  }
0x1d3: {  	v9 =	vmin.f32 v9, $6.553500000e+04  }
0x1d4: {  	v8 =	vadd.f32 v9, v8;
	_ =	sdelay $0x1  }
0x1d5: {  	v8 =	vtrunc.f32 v8  }
0x1d6: {  	v8 =	vcvt.f32.s32 v8  }
0x1d7: {  	p0 =	seq.s32 s24, $0x0  }
0x1d8: {  	s26 =	simm.s32 @!p0 $0x2;
	[tilespmem:v10+s28+$0x70 ss:$0x1] =	vst.idx.msk $0xffff, v8  }
0x1d9: {  	_ =	swait.ge @!p0 [sflag:s26], $0x2000  }
0x1da: {  	[sflag:s26] =	ssyncset.done @!p0 $0x0  }
0x1db: {  	s28 =	sadd.s32 $0x0, s25;
	[sflag:s26] =	ssyncadd.s32 @!p0 $0xFFFFE000;
	s26 =	simm.s32 $0x200  }
.LBB2_7:
0x1dc: {  	[spmem:s0] =	stream.indirect.scatter.add.f32 [tilespmem:s18], [sflag:$0x2], $0x1, s28, s17, $0xb8;
	[tilespmem:$0x18080] =	vst v63  }
0x1dd: {  	s28 =	smov.u32 s26;
	p0 =	sne.s32 s26, $0x7E00  }
.Ltmp2:
0x1de: {  	s26 =	sadd.s32 $0x200, s26;
	(pc) =	sbr.rel @p0 .LBB2_7-.Ltmp2, $3  }
0x1df: {  	_ =	sdelay $0x1  }
0x1e0: {  	s28 =	sshra.s32 s28, $0x2  }
0x1e1: {  	s28 =	sadd.s32 s28, s25  }
0x1e2: {  	s24 =	sadd.s32 $0x1, s24  }
0x1e3: {  	p0 =	sne.s32 s24, $0x10  }
.Ltmp3:
0x1e4: {  	_ = 	snop;
	(pc) =	sbr.rel @p0 .LBB2_4-.Ltmp3, $3  }
0x1e5: {  	_ =	sdelay $0x1  }
0x1e6: {  	[spmem:s0] =	stream.indirect.scatter.add.f32 [tilespmem:s18], [sflag:$0x2], $0x1, s28, s17, $0xb8;
	[tilespmem:$0x18080] =	vst v63  }
0x1e7: {  	s23 =	sadd.s32 $0x2000, s23;
	s22 =	sadd.s32 $0x2000, s22;
	s21 =	sadd.s32 $0x2000, s21  }
0x1e8: {  	_ =	swait.ge [sflag:s19], $0x2000  }
0x1e9: {  	s21 =	sshll.u32 s2, $0x6;
	s20 =	sadd.s32 $0x1, s20;
	[sflag:s19] =	ssyncset.done $0x0  }
0x1ea: {  	s22 =	sshrl.u32 s8, $0x3;
	p0 =	sne.s32 s20, s12;
	[sflag:s19] =	ssyncadd.s32 $0xFFFFE000  }
.Ltmp4:
0x1eb: {  	s21 =	sor.u32 $0x1C03, s21;
	[bflag:$0x0] =	sbarrier.arrive $0xFFFF;
	(pc) =	sbr.rel @p0 .LBB2_1-.Ltmp4, $4  }
0x1ec: {  	[hbm:s11], [sflag:s21] =	dma.local [spmem:s22], $0x400  }
0x1ed: {  	_ =	swait.ge [sflag:s14], $0x400  }
0x1ee: {  	[sflag:s14] =	ssyncset.done $0x0  }
0x1ef: {  	[sflag:s14] =	ssyncadd.s32 $0xFFFFFC00  }
0x1f0: {  	_ =	sfence.sel $0x180000  }
0x1f1: {  	[bflag:$0x0] =	sbarrier.arrive $0xFFFF  }
0x1f2: {  	p0 =	sne.s32 s2, $0x0;
	_ =	strace $0x9000004A  }
0x1f3: {  	s0 =	sadd.s32 @!p0 $0x100000, s3;
	[bflag:$0x2] =	sbarrier.arrive $0xFFFF  }
0x1f4: {  	[sflag:s0] =	ssyncadd.tile.s32 @!p0 $0x1;
	_ =	shalt  }
.Lfunc_end2:
_tile_overlayer_lowered:
.L_overlay_start_2:
0x1f5: {  	(tag) =	ssettag $0x2  }
0x1f6: {  	s0 =	rddreg [dreg:$0x0];
	s2 =	stileid.u32  }
0x1f7: {  	s1 =	rddreg [dreg:$0x1];
	p0 =	sne.s32 s2, $0x0  }
0x1f8: {  	s3 =	rddreg [dreg:$0x2];
	[bflag:$0x3] =	sbarrier.arrive $0xFFFF;
	s2 =	simm.s32 @!p0 $0x1C03  }
0x1f9: {  	[timem:s3], [sflag:s2] =	dma.local @!p0 [hbm:s0], s1  }
0x1fa: {  	s0 =	simm.s32 @!p0 $0x3  }
0x1fb: {  	_ =	swait.ge @!p0 [sflag:s0], s1  }
0x1fc: {  	s1 =	ssub.s32 @!p0 $0x0, s1;
	[sflag:s0] =	ssyncset.done @!p0 $0x0  }
0x1fd: {  	[sflag:s0] =	ssyncadd.s32 @!p0 s1  }
0x1fe: {  	[bflag:$0x3] =	sbarrier.arrive $0xFFFF  }
0x1ff: {  	_ =	shalt  }

</sc_bundles>
